<compile_context>
chip_gen: v7x
topology: tpu7x:2x2x1
jax: 0.10.2.dev20260603
libtpu: 0.0.44.dev20260713+nightly
codegen_flags: <defaults>
</compile_context>

<pallas_src>
import functools

import jax
import jax.numpy as jnp
from jax import lax
from jax.experimental import pallas as pl
from jax.experimental.pallas import tpu as pltpu
from jax.experimental.pallas import tpu_sc as plsc

N_A = 5000
N_B = 5000
N = N_A + N_B
E = 320000
D = 128
H = 256

NC = 2
NS = 16
B = 128
NB_TILE = 160
E_PAD = NS * NB_TILE * B
ACC_ROWS = 10240
DUMP = 10200
STRIPE = ACC_ROWS // NS
CNT_ROWS = 5120
DUMP_C = 5100
CSTRIPE = CNT_ROWS // NS


def _sc_type_sums(x_cat, src, dst):
    mesh = plsc.VectorSubcoreMesh(core_axis_name="c", subcore_axis_name="s")

    @functools.partial(
        pl.kernel,
        out_type=jax.ShapeDtypeStruct((NC * ACC_ROWS, D), jnp.float32),
        mesh=mesh,
        scratch_types=[
            pltpu.VMEM_SHARED((ACC_ROWS, D), jnp.float32),
            pltpu.VMEM((B,), jnp.int32),
            pltpu.VMEM((B,), jnp.int32),
            pltpu.VMEM((B,), jnp.int32),
            pltpu.VMEM((B,), jnp.int32),
            pltpu.VMEM((B,), jnp.int32),
            pltpu.VMEM((B, D), jnp.float32),
            pltpu.VMEM((B, D), jnp.float32),
            pltpu.SemaphoreType.DMA,
            pltpu.SemaphoreType.DMA,
        ],
    )
    def body(x_hbm, src_hbm, dst_hbm, s_out,
             acc_sh, src_v0, src_v1, dst_v, idx_v0, idx_v1,
             rows_v0, rows_v1, sem0, sem1):
        cid = lax.axis_index("c")
        tid = lax.axis_index("s")
        zeros16 = jnp.zeros((16,), jnp.float32)

        def zero_rows(i, carry):
            for j in range(D // 16):
                rows_v0[i, pl.ds(j * 16, 16)] = zeros16
            return carry
        lax.fori_loop(0, B, zero_rows, 0)

        def zero_acc(k, carry):
            pltpu.sync_copy(rows_v0, acc_sh.at[pl.ds(tid * STRIPE + k * B, B)])
            return carry
        lax.fori_loop(0, STRIPE // B, zero_acc, 0)

        plsc.subcore_barrier()

        lo = tid * NB_TILE
        lim = cid * N_A
        def load_idx(b, src_v, idx_v):
            off = b * B
            pltpu.sync_copy(src_hbm.at[pl.ds(off, B)], src_v)
            pltpu.sync_copy(dst_hbm.at[pl.ds(off, B)], dst_v)
            for j in range(B // 16):
                s = src_v[pl.ds(j * 16, 16)]
                d = dst_v[pl.ds(j * 16, 16)]
                mine = (s >= lim) & (s < lim + N_A)
                idx_v[pl.ds(j * 16, 16)] = jnp.where(mine, d, DUMP)

        def edge_pair(p, carry):
            b0 = lo + 2 * p
            load_idx(b0, src_v0, idx_v0)
            h0 = pltpu.async_copy(x_hbm.at[src_v0], rows_v0, sem0)
            load_idx(b0 + 1, src_v1, idx_v1)
            h1 = pltpu.async_copy(x_hbm.at[src_v1], rows_v1, sem1)
            h0.wait()
            pltpu.sync_copy(rows_v0, acc_sh.at[idx_v0], add=True)
            h1.wait()
            pltpu.sync_copy(rows_v1, acc_sh.at[idx_v1], add=True)
            return carry
        lax.fori_loop(0, NB_TILE // 2, edge_pair, 0)

        plsc.subcore_barrier()

        pltpu.sync_copy(acc_sh.at[pl.ds(tid * STRIPE, STRIPE)],
                        s_out.at[pl.ds(cid * ACC_ROWS + tid * STRIPE, STRIPE)])

    return body(x_cat, src, dst)


def _sc_counts(dst):
    mesh = plsc.VectorSubcoreMesh(core_axis_name="c", subcore_axis_name="s")

    @functools.partial(
        pl.kernel,
        out_type=jax.ShapeDtypeStruct((NC * CNT_ROWS, D), jnp.float32),
        mesh=mesh,
        scratch_types=[
            pltpu.VMEM_SHARED((CNT_ROWS, D), jnp.float32),
            pltpu.VMEM((B,), jnp.int32),
            pltpu.VMEM((B,), jnp.int32),
            pltpu.VMEM((B,), jnp.int32),
            pltpu.VMEM((B, D), jnp.float32),
            pltpu.SemaphoreType.DMA,
            pltpu.SemaphoreType.DMA,
        ],
    )
    def body(dst_hbm, c_out, cnt_sh, dst_v0, dst_v1, idx_v, ones_v,
             sem0, sem1):
        cid = lax.axis_index("c")
        tid = lax.axis_index("s")
        zeros16 = jnp.zeros((16,), jnp.float32)
        ones16 = jnp.ones((16,), jnp.float32)

        def zero_rows(i, carry):
            for j in range(D // 16):
                ones_v[i, pl.ds(j * 16, 16)] = zeros16
            return carry
        lax.fori_loop(0, B, zero_rows, 0)

        def zero_cnt(k, carry):
            pltpu.sync_copy(ones_v, cnt_sh.at[pl.ds(tid * CSTRIPE + k * B, B)])
            return carry
        lax.fori_loop(0, CSTRIPE // B, zero_cnt, 0)
        pltpu.sync_copy(
            ones_v.at[pl.ds(0, CSTRIPE % B)],
            cnt_sh.at[pl.ds(tid * CSTRIPE + (CSTRIPE // B) * B, CSTRIPE % B)])

        def fill_ones(i, carry):
            for j in range(D // 16):
                ones_v[i, pl.ds(j * 16, 16)] = ones16
            return carry
        lax.fori_loop(0, B, fill_ones, 0)

        plsc.subcore_barrier()

        lo = tid * NB_TILE
        lim = cid * N_A
        def scatter_one(dst_v):
            for j in range(B // 16):
                d = dst_v[pl.ds(j * 16, 16)]
                cmine = (d >= lim) & (d < lim + N_A)
                idx_v[pl.ds(j * 16, 16)] = jnp.where(cmine, d - lim, DUMP_C)
            pltpu.sync_copy(ones_v, cnt_sh.at[idx_v], add=True)

        def edge_pair(p, carry):
            off = (lo + 2 * p) * B
            h0 = pltpu.async_copy(dst_hbm.at[pl.ds(off, B)], dst_v0, sem0)
            h1 = pltpu.async_copy(dst_hbm.at[pl.ds(off + B, B)], dst_v1, sem1)
            h0.wait()
            scatter_one(dst_v0)
            h1.wait()
            scatter_one(dst_v1)
            return carry
        lax.fori_loop(0, NB_TILE // 2, edge_pair, 0)

        plsc.subcore_barrier()

        pltpu.sync_copy(
            cnt_sh.at[pl.ds(tid * CSTRIPE, CSTRIPE)],
            c_out.at[pl.ds(cid * CNT_ROWS + tid * CSTRIPE, CSTRIPE)])

    return body(dst)


def _tc_dense(x_cat, s_a, s_b, cnt,
              W_pa, b_pa, W_pb, b_pb, W_l, W_r, b_l, W_f, b_f, W_o, b_o):
    BN = 1000
    grid = (N // BN,)
    blk_t = N_A // BN

    def body(x_ref, sa_ref, sb_ref, c_ref,
             wpa_ref, bpa_ref, wpb_ref, bpb_ref,
             wl_ref, wr_ref, bl_ref, wf_ref, bf_ref, wo_ref, bo_ref,
             out_ref):
        f32 = jnp.float32
        cnt_b = c_ref[:, 0:1]
        wpa = wpa_ref[...]
        wpb = wpb_ref[...]
        bpa = bpa_ref[...]
        bpb = bpb_ref[...]
        zsum = (jnp.dot(sa_ref[...], wpa, preferred_element_type=f32)
                + jnp.dot(sb_ref[...], wpb, preferred_element_type=f32)
                + cnt_b * bpa)
        agg = zsum / jnp.maximum(cnt_b, 1.0)
        is_a = pl.program_id(0) < blk_t
        wp = jnp.where(is_a, wpa, wpb)
        bp = jnp.where(is_a, bpa, bpb)
        z = jnp.dot(x_ref[...], wp, preferred_element_type=f32) + bp
        h = (jnp.dot(agg, wl_ref[...], preferred_element_type=f32)
             + bl_ref[...]
             + jnp.dot(z, wr_ref[...], preferred_element_type=f32))
        h = jnp.maximum(h, 0.0)
        h = jnp.maximum(
            jnp.dot(h, wf_ref[...], preferred_element_type=f32)
            + bf_ref[...], 0.0)
        out_ref[...] = (jnp.dot(h, wo_ref[...], preferred_element_type=f32)
                        + bo_ref[...])

    full = lambda shape: pl.BlockSpec(shape, lambda i: (0,) * len(shape))
    row_blk = lambda w: pl.BlockSpec((BN, w), lambda i: (i, 0))
    return pl.pallas_call(
        body,
        grid=grid,
        in_specs=[
            row_blk(D),
            row_blk(D),
            row_blk(D),
            row_blk(D),
            full((D, H)), full((1, H)),
            full((D, H)), full((1, H)),
            full((H, H)), full((H, H)), full((1, H)),
            full((H, H)), full((1, H)),
            full((H, H)), full((1, H)),
        ],
        out_specs=row_blk(H),
        out_shape=jax.ShapeDtypeStruct((N, H), jnp.float32),
    )(x_cat, s_a, s_b, cnt,
      W_pa, b_pa.reshape(1, H), W_pb, b_pb.reshape(1, H),
      W_l, W_r, b_l.reshape(1, H), W_f, b_f.reshape(1, H),
      W_o, b_o.reshape(1, H))


def kernel(x_materials, x_other, edge_index,
           W_pa, b_pa, W_pb, b_pb, W_l, W_r, b_l, W_f, b_f, W_o, b_o):
    x_cat = jnp.concatenate([x_materials, x_other], axis=0)
    pad = E_PAD - E
    src = jnp.concatenate([edge_index[0], jnp.zeros((pad,), jnp.int32)])
    dst = jnp.concatenate([edge_index[1], jnp.full((pad,), DUMP, jnp.int32)])
    S = _sc_type_sums(x_cat, src, dst)
    C = _sc_counts(dst)
    cnt = jnp.concatenate([C[:N_A], C[CNT_ROWS:CNT_ROWS + N_B]])
    out = _tc_dense(x_cat, S[:N], S[ACC_ROWS:ACC_ROWS + N], cnt,
                    W_pa, b_pa, W_pb, b_pb,
                    W_l, W_r, b_l, W_f, b_f, W_o, b_o)
    return out

# --- scband reference (transcript-rebuilt; emitter-appended) ---
"""Pipeline reference for scband-hetero-encoder-88407606820903 (READ-ONLY COPY).

The authoritative reference and input builder live on the scoring server;
editing this copy changes nothing except your own understanding.
"""

import jax, jax.numpy as jnp
import numpy as np

N_A = 5000
N_B = 5000
N = N_A + N_B
E = 320000
D = 128
H = 256


def setup_inputs(seed: int = 0) -> dict:
    key = jax.random.key(seed)
    ks = jax.random.split(key, 16)
    s_in = 1.0 / np.sqrt(D)
    s_h = 1.0 / np.sqrt(H)
    inp = {}
    inp["x_materials"] = jax.random.normal(ks[0], (N_A, D), dtype=jnp.float32)
    inp["x_other"] = jax.random.normal(ks[1], (N_B, D), dtype=jnp.float32)
    inp["edge_index"] = jax.random.randint(ks[2], (2, E), 0, N, dtype=jnp.int32)
    # per-node-type projections (HeteroEncoder.node_projections)
    inp["W_pa"] = jax.random.normal(ks[3], (D, H), dtype=jnp.float32) * s_in
    inp["b_pa"] = jnp.zeros((H,), dtype=jnp.float32)
    inp["W_pb"] = jax.random.normal(ks[4], (D, H), dtype=jnp.float32) * s_in
    inp["b_pb"] = jnp.zeros((H,), dtype=jnp.float32)
    # SAGEConv (mean aggr): lin_l applied to aggregated neighbors, lin_r to self
    inp["W_l"] = jax.random.normal(ks[5], (H, H), dtype=jnp.float32) * s_h
    inp["W_r"] = jax.random.normal(ks[6], (H, H), dtype=jnp.float32) * s_h
    inp["b_l"] = jnp.zeros((H,), dtype=jnp.float32)
    # ffw linear layer
    inp["W_f"] = jax.random.normal(ks[7], (H, H), dtype=jnp.float32) * s_h
    inp["b_f"] = jnp.zeros((H,), dtype=jnp.float32)
    # output projection (GNNEncoder.proj, out_channels == hidden_channels)
    inp["W_o"] = jax.random.normal(ks[8], (H, H), dtype=jnp.float32) * s_h
    inp["b_o"] = jnp.zeros((H,), dtype=jnp.float32)
    return inp


def reference(x_materials, x_other, edge_index, W_pa, b_pa, W_pb, b_pb, W_l, W_r, b_l, W_f, b_f, W_o, b_o):
    # process_input_nodes: per-type projection, then to_homogeneous (concat)
    z_a = x_materials @ W_pa + b_pa
    z_b = x_other @ W_pb + b_pb
    z = jnp.concatenate([z_a, z_b], axis=0)  # [N, H]
    src = edge_index[0]
    dst = edge_index[1]
    # SAGEConv with mean aggregation: h_i = W_l * mean_{j in N(i)} z_j + W_r * z_i + b_l
    msg = jnp.take(z, src, axis=0)  # gather [E, H]
    agg = jax.ops.segment_sum(msg, dst, num_segments=N)
    cnt = jax.ops.segment_sum(jnp.ones((msg.shape[0], 1), dtype=z.dtype), dst, num_segments=N)
    agg = agg / jnp.maximum(cnt, 1.0)
    h = agg @ W_l + b_l + z @ W_r
    h = jax.nn.relu(h)
    # dropout p=0.0 is identity
    # ffw layer
    h = jax.nn.relu(h @ W_f + b_f)
    # output projection
    out = h @ W_o + b_o
    return out

if __name__ == "__main__":
    import jax
    _d = setup_inputs()
    print(jax.jit(kernel)(*tuple(_d.values())))

</pallas_src>

<mosaic_0001>
#map = affine_map<(d0, d1) -> (0)>
#map1 = affine_map<(d0, d1) -> (0, 0)>
module attributes {stable_mosaic.version = 14 : i64} {
  func.func @body(%arg0: i32, %arg1: i32, %arg2: memref<327680xi32, #tpu.memory_space<hbm>>, %arg3: memref<10240x128xf32, #tpu.memory_space<hbm>>, %arg4: memref<5120x128xf32, #tpu.memory_space<vmem_shared>>, %arg5: memref<128xi32, #tpu.memory_space<vmem>>, %arg6: memref<128xi32, #tpu.memory_space<vmem>>, %arg7: memref<128xi32, #tpu.memory_space<vmem>>, %arg8: memref<128x128xf32, #tpu.memory_space<vmem>>, %arg9: memref<!tpu.dma_semaphore, #tpu.memory_space<semaphore_mem>>, %arg10: memref<!tpu.dma_semaphore, #tpu.memory_space<semaphore_mem>>) attributes {dimension_semantics = [#tpu.dimension_semantics<core_parallel>, #tpu.dimension_semantics<subcore_parallel>], iteration_bounds = array<i64: 2, 16>, scalar_prefetch = 0 : i64, scratch_operands = 7 : i64, tpu.core_type = #tpu.core_type<sc_vector_subcore>, window_params = [{transform_indices = #map}, {transform_indices = #map1}]} {
    %broadcast_in_dim3A = arith.constant 0.000000e+00 : f32
    %broadcast_in_dim3A_0 = vector.broadcast %broadcast_in_dim3A : f32 to vector<16xf32>
    %broadcast_in_dim3A_1 = arith.constant 1.000000e+00 : f32
    %broadcast_in_dim3A_2 = vector.broadcast %broadcast_in_dim3A_1 : f32 to vector<16xf32>
    %scan3A = arith.constant 0 : i32
    %scan3A_3 = arith.constant 0 : i32
    %scan3A_4 = arith.constant 128 : i32
    %scan3A_5 = arith.addi %scan3A_3, %scan3A_4 : i32
    %scan3A_6 = arith.constant 1 : i32
    scf.for %scan3A_40 = %scan3A_3 to %scan3A_5 step %scan3A_6  : i32 {
      %swap3A = arith.index_cast %scan3A_40 : i32 to index
      %swap3A_41 = arith.constant 0 : index
      %swap3A_42 = tpu.vector_load %arg8[%swap3A, %swap3A_41] {strides = array<i32>} : memref<128x128xf32, #tpu.memory_space<vmem>>, vector<1x16xf32>,
      %swap3A_43 = vector.shape_cast %swap3A_42 : vector<1x16xf32> to vector<16xf32>
      %swap3A_44 = vector.shape_cast %broadcast_in_dim3A_0 : vector<16xf32> to vector<1x16xf32>
      tpu.vector_store %arg8[%swap3A, %swap3A_41], %swap3A_44 {strides = array<i32>} : memref<128x128xf32, #tpu.memory_space<vmem>>, vector<1x16xf32>,
      %swap3A_45 = arith.index_cast %scan3A_40 : i32 to index
      %swap3A_46 = arith.constant 16 : index
      %swap3A_47 = tpu.vector_load %arg8[%swap3A_45, %swap3A_46] {strides = array<i32>} : memref<128x128xf32, #tpu.memory_space<vmem>>, vector<1x16xf32>,
      %swap3A_48 = vector.shape_cast %swap3A_47 : vector<1x16xf32> to vector<16xf32>
      %swap3A_49 = vector.shape_cast %broadcast_in_dim3A_0 : vector<16xf32> to vector<1x16xf32>
      tpu.vector_store %arg8[%swap3A_45, %swap3A_46], %swap3A_49 {strides = array<i32>} : memref<128x128xf32, #tpu.memory_space<vmem>>, vector<1x16xf32>,
      %swap3A_50 = arith.index_cast %scan3A_40 : i32 to index
      %swap3A_51 = arith.constant 32 : index
      %swap3A_52 = tpu.vector_load %arg8[%swap3A_50, %swap3A_51] {strides = array<i32>} : memref<128x128xf32, #tpu.memory_space<vmem>>, vector<1x16xf32>,
      %swap3A_53 = vector.shape_cast %swap3A_52 : vector<1x16xf32> to vector<16xf32>
      %swap3A_54 = vector.shape_cast %broadcast_in_dim3A_0 : vector<16xf32> to vector<1x16xf32>
      tpu.vector_store %arg8[%swap3A_50, %swap3A_51], %swap3A_54 {strides = array<i32>} : memref<128x128xf32, #tpu.memory_space<vmem>>, vector<1x16xf32>,
      %swap3A_55 = arith.index_cast %scan3A_40 : i32 to index
      %swap3A_56 = arith.constant 48 : index
      %swap3A_57 = tpu.vector_load %arg8[%swap3A_55, %swap3A_56] {strides = array<i32>} : memref<128x128xf32, #tpu.memory_space<vmem>>, vector<1x16xf32>,
      %swap3A_58 = vector.shape_cast %swap3A_57 : vector<1x16xf32> to vector<16xf32>
      %swap3A_59 = vector.shape_cast %broadcast_in_dim3A_0 : vector<16xf32> to vector<1x16xf32>
      tpu.vector_store %arg8[%swap3A_55, %swap3A_56], %swap3A_59 {strides = array<i32>} : memref<128x128xf32, #tpu.memory_space<vmem>>, vector<1x16xf32>,
      %swap3A_60 = arith.index_cast %scan3A_40 : i32 to index
      %swap3A_61 = arith.constant 64 : index
      %swap3A_62 = tpu.vector_load %arg8[%swap3A_60, %swap3A_61] {strides = array<i32>} : memref<128x128xf32, #tpu.memory_space<vmem>>, vector<1x16xf32>,
      %swap3A_63 = vector.shape_cast %swap3A_62 : vector<1x16xf32> to vector<16xf32>
      %swap3A_64 = vector.shape_cast %broadcast_in_dim3A_0 : vector<16xf32> to vector<1x16xf32>
      tpu.vector_store %arg8[%swap3A_60, %swap3A_61], %swap3A_64 {strides = array<i32>} : memref<128x128xf32, #tpu.memory_space<vmem>>, vector<1x16xf32>,
      %swap3A_65 = arith.index_cast %scan3A_40 : i32 to index
      %swap3A_66 = arith.constant 80 : index
      %swap3A_67 = tpu.vector_load %arg8[%swap3A_65, %swap3A_66] {strides = array<i32>} : memref<128x128xf32, #tpu.memory_space<vmem>>, vector<1x16xf32>,
      %swap3A_68 = vector.shape_cast %swap3A_67 : vector<1x16xf32> to vector<16xf32>
      %swap3A_69 = vector.shape_cast %broadcast_in_dim3A_0 : vector<16xf32> to vector<1x16xf32>
      tpu.vector_store %arg8[%swap3A_65, %swap3A_66], %swap3A_69 {strides = array<i32>} : memref<128x128xf32, #tpu.memory_space<vmem>>, vector<1x16xf32>,
      %swap3A_70 = arith.index_cast %scan3A_40 : i32 to index
      %swap3A_71 = arith.constant 96 : index
      %swap3A_72 = tpu.vector_load %arg8[%swap3A_70, %swap3A_71] {strides = array<i32>} : memref<128x128xf32, #tpu.memory_space<vmem>>, vector<1x16xf32>,
      %swap3A_73 = vector.shape_cast %swap3A_72 : vector<1x16xf32> to vector<16xf32>
      %swap3A_74 = vector.shape_cast %broadcast_in_dim3A_0 : vector<16xf32> to vector<1x16xf32>
      tpu.vector_store %arg8[%swap3A_70, %swap3A_71], %swap3A_74 {strides = array<i32>} : memref<128x128xf32, #tpu.memory_space<vmem>>, vector<1x16xf32>,
      %swap3A_75 = arith.index_cast %scan3A_40 : i32 to index
      %swap3A_76 = arith.constant 112 : index
      %swap3A_77 = tpu.vector_load %arg8[%swap3A_75, %swap3A_76] {strides = array<i32>} : memref<128x128xf32, #tpu.memory_space<vmem>>, vector<1x16xf32>,
      %swap3A_78 = vector.shape_cast %swap3A_77 : vector<1x16xf32> to vector<16xf32>
      %swap3A_79 = vector.shape_cast %broadcast_in_dim3A_0 : vector<16xf32> to vector<1x16xf32>
      tpu.vector_store %arg8[%swap3A_75, %swap3A_76], %swap3A_79 {strides = array<i32>} : memref<128x128xf32, #tpu.memory_space<vmem>>, vector<1x16xf32>,
    }
    %scan3A_7 = arith.constant 128 : i32
    %scan3A_8 = arith.constant 0 : i32
    %scan3A_9 = arith.constant 0 : i32
    %scan3A_10 = arith.constant 2 : i32
    %scan3A_11 = arith.addi %scan3A_9, %scan3A_10 : i32
    %scan3A_12 = arith.constant 1 : i32
    scf.for %scan3A_40 = %scan3A_9 to %scan3A_11 step %scan3A_12  : i32 {
      %mul3A_41 = arith.constant 320 : i32
      %mul3A_42 = arith.muli %arg1, %mul3A_41 : i32
      %mul3A_43 = arith.constant 128 : i32
      %mul3A_44 = arith.muli %scan3A_40, %mul3A_43 : i32
      %add3A_45 = arith.addi %mul3A_42, %mul3A_44 : i32
      "tpu.region"() ({
        %run_scoped3A = tpu.sem_alloc : memref<!tpu.dma_semaphore, #tpu.memory_space<semaphore_mem>>
        %dma_start3A = arith.constant 0 : i32
        %dma_start3A_46 = tpu.memref_slice %arg4[%add3A_45, %dma_start3A] : memref<5120x128xf32, #tpu.memory_space<vmem_shared>> -> memref<128x128xf32, #tpu.memory_space<vmem_shared>>
        %dma_start3A_47 = arith.constant 0 : i32
        %dma_start3A_48 = tpu.memref_slice %arg4[%add3A_45, %dma_start3A_47] : memref<5120x128xf32, #tpu.memory_space<vmem_shared>> -> memref<128x128xf32, #tpu.memory_space<vmem_shared>>
        tpu.enqueue_dma source(%arg8 : memref<128x128xf32, #tpu.memory_space<vmem>>) target(%dma_start3A_48 : memref<128x128xf32, #tpu.memory_space<vmem_shared>>) target_semaphore(%run_scoped3A : memref<!tpu.dma_semaphore, #tpu.memory_space<semaphore_mem>>)
        %dma_wait3A = arith.constant 0 : i32
        %dma_wait3A_49 = tpu.memref_slice %arg4[%add3A_45, %dma_wait3A] : memref<5120x128xf32, #tpu.memory_space<vmem_shared>> -> memref<128x128xf32, #tpu.memory_space<vmem_shared>>
        %dma_wait3A_50 = arith.constant 0 : i32
        %dma_wait3A_51 = tpu.memref_slice %arg4[%add3A_45, %dma_wait3A_50] : memref<5120x128xf32, #tpu.memory_space<vmem_shared>> -> memref<128x128xf32, #tpu.memory_space<vmem_shared>>
        tpu.wait_dma2 semaphore(%run_scoped3A : memref<!tpu.dma_semaphore, #tpu.memory_space<semaphore_mem>>) src(%arg8 : memref<128x128xf32, #tpu.memory_space<vmem>>) dst(%dma_wait3A_51 : memref<128x128xf32, #tpu.memory_space<vmem_shared>>)
        tpu.yield
      }) : () -> ()
    }
    %scan3A_13 = arith.constant 2 : i32
    %mul3A = arith.constant 320 : i32
    %mul3A_14 = arith.muli %arg1, %mul3A : i32
    %add3A = arith.constant 256 : i32
    %add3A_15 = arith.addi %mul3A_14, %add3A : i32
    "tpu.region"() ({
      %run_scoped3A = tpu.sem_alloc : memref<!tpu.dma_semaphore, #tpu.memory_space<semaphore_mem>>
      %dma_start3A = arith.constant 0 : i32
      %dma_start3A_40 = arith.constant 0 : i32
      %dma_start3A_41 = tpu.memref_slice %arg8[%dma_start3A, %dma_start3A_40] : memref<128x128xf32, #tpu.memory_space<vmem>> -> memref<64x128xf32, #tpu.memory_space<vmem>>
      %dma_start3A_42 = arith.constant 0 : i32
      %dma_start3A_43 = tpu.memref_slice %arg4[%add3A_15, %dma_start3A_42] : memref<5120x128xf32, #tpu.memory_space<vmem_shared>> -> memref<64x128xf32, #tpu.memory_space<vmem_shared>>
      %dma_start3A_44 = arith.constant 0 : i32
      %dma_start3A_45 = tpu.memref_slice %arg4[%add3A_15, %dma_start3A_44] : memref<5120x128xf32, #tpu.memory_space<vmem_shared>> -> memref<64x128xf32, #tpu.memory_space<vmem_shared>>
      %dma_start3A_46 = arith.constant 0 : i32
      %dma_start3A_47 = arith.constant 0 : i32
      %dma_start3A_48 = tpu.memref_slice %arg8[%dma_start3A_46, %dma_start3A_47] : memref<128x128xf32, #tpu.memory_space<vmem>> -> memref<64x128xf32, #tpu.memory_space<vmem>>
      tpu.enqueue_dma source(%dma_start3A_48 : memref<64x128xf32, #tpu.memory_space<vmem>>) target(%dma_start3A_45 : memref<64x128xf32, #tpu.memory_space<vmem_shared>>) target_semaphore(%run_scoped3A : memref<!tpu.dma_semaphore, #tpu.memory_space<semaphore_mem>>)
      %dma_wait3A = arith.constant 0 : i32
      %dma_wait3A_49 = arith.constant 0 : i32
      %dma_wait3A_50 = tpu.memref_slice %arg8[%dma_wait3A, %dma_wait3A_49] : memref<128x128xf32, #tpu.memory_space<vmem>> -> memref<64x128xf32, #tpu.memory_space<vmem>>
      %dma_wait3A_51 = arith.constant 0 : i32
      %dma_wait3A_52 = tpu.memref_slice %arg4[%add3A_15, %dma_wait3A_51] : memref<5120x128xf32, #tpu.memory_space<vmem_shared>> -> memref<64x128xf32, #tpu.memory_space<vmem_shared>>
      %dma_wait3A_53 = arith.constant 0 : i32
      %dma_wait3A_54 = tpu.memref_slice %arg4[%add3A_15, %dma_wait3A_53] : memref<5120x128xf32, #tpu.memory_space<vmem_shared>> -> memref<64x128xf32, #tpu.memory_space<vmem_shared>>
      %dma_wait3A_55 = arith.constant 0 : i32
      %dma_wait3A_56 = arith.constant 0 : i32
      %dma_wait3A_57 = tpu.memref_slice %arg8[%dma_wait3A_55, %dma_wait3A_56] : memref<128x128xf32, #tpu.memory_space<vmem>> -> memref<64x128xf32, #tpu.memory_space<vmem>>
      tpu.wait_dma2 semaphore(%run_scoped3A : memref<!tpu.dma_semaphore, #tpu.memory_space<semaphore_mem>>) src(%dma_wait3A_57 : memref<64x128xf32, #tpu.memory_space<vmem>>) dst(%dma_wait3A_54 : memref<64x128xf32, #tpu.memory_space<vmem_shared>>)
      tpu.yield
    }) : () -> ()
    %scan3A_16 = arith.constant 0 : i32
    %scan3A_17 = arith.constant 0 : i32
    %scan3A_18 = arith.constant 128 : i32
    %scan3A_19 = arith.addi %scan3A_17, %scan3A_18 : i32
    %scan3A_20 = arith.constant 1 : i32
    scf.for %scan3A_40 = %scan3A_17 to %scan3A_19 step %scan3A_20  : i32 {
      %swap3A = arith.index_cast %scan3A_40 : i32 to index
      %swap3A_41 = arith.constant 0 : index
      %swap3A_42 = tpu.vector_load %arg8[%swap3A, %swap3A_41] {strides = array<i32>} : memref<128x128xf32, #tpu.memory_space<vmem>>, vector<1x16xf32>,
      %swap3A_43 = vector.shape_cast %swap3A_42 : vector<1x16xf32> to vector<16xf32>
      %swap3A_44 = vector.shape_cast %broadcast_in_dim3A_2 : vector<16xf32> to vector<1x16xf32>
      tpu.vector_store %arg8[%swap3A, %swap3A_41], %swap3A_44 {strides = array<i32>} : memref<128x128xf32, #tpu.memory_space<vmem>>, vector<1x16xf32>,
      %swap3A_45 = arith.index_cast %scan3A_40 : i32 to index
      %swap3A_46 = arith.constant 16 : index
      %swap3A_47 = tpu.vector_load %arg8[%swap3A_45, %swap3A_46] {strides = array<i32>} : memref<128x128xf32, #tpu.memory_space<vmem>>, vector<1x16xf32>,
      %swap3A_48 = vector.shape_cast %swap3A_47 : vector<1x16xf32> to vector<16xf32>
      %swap3A_49 = vector.shape_cast %broadcast_in_dim3A_2 : vector<16xf32> to vector<1x16xf32>
      tpu.vector_store %arg8[%swap3A_45, %swap3A_46], %swap3A_49 {strides = array<i32>} : memref<128x128xf32, #tpu.memory_space<vmem>>, vector<1x16xf32>,
      %swap3A_50 = arith.index_cast %scan3A_40 : i32 to index
      %swap3A_51 = arith.constant 32 : index
      %swap3A_52 = tpu.vector_load %arg8[%swap3A_50, %swap3A_51] {strides = array<i32>} : memref<128x128xf32, #tpu.memory_space<vmem>>, vector<1x16xf32>,
      %swap3A_53 = vector.shape_cast %swap3A_52 : vector<1x16xf32> to vector<16xf32>
      %swap3A_54 = vector.shape_cast %broadcast_in_dim3A_2 : vector<16xf32> to vector<1x16xf32>
      tpu.vector_store %arg8[%swap3A_50, %swap3A_51], %swap3A_54 {strides = array<i32>} : memref<128x128xf32, #tpu.memory_space<vmem>>, vector<1x16xf32>,
      %swap3A_55 = arith.index_cast %scan3A_40 : i32 to index
      %swap3A_56 = arith.constant 48 : index
      %swap3A_57 = tpu.vector_load %arg8[%swap3A_55, %swap3A_56] {strides = array<i32>} : memref<128x128xf32, #tpu.memory_space<vmem>>, vector<1x16xf32>,
      %swap3A_58 = vector.shape_cast %swap3A_57 : vector<1x16xf32> to vector<16xf32>
      %swap3A_59 = vector.shape_cast %broadcast_in_dim3A_2 : vector<16xf32> to vector<1x16xf32>
      tpu.vector_store %arg8[%swap3A_55, %swap3A_56], %swap3A_59 {strides = array<i32>} : memref<128x128xf32, #tpu.memory_space<vmem>>, vector<1x16xf32>,
      %swap3A_60 = arith.index_cast %scan3A_40 : i32 to index
      %swap3A_61 = arith.constant 64 : index
      %swap3A_62 = tpu.vector_load %arg8[%swap3A_60, %swap3A_61] {strides = array<i32>} : memref<128x128xf32, #tpu.memory_space<vmem>>, vector<1x16xf32>,
      %swap3A_63 = vector.shape_cast %swap3A_62 : vector<1x16xf32> to vector<16xf32>
      %swap3A_64 = vector.shape_cast %broadcast_in_dim3A_2 : vector<16xf32> to vector<1x16xf32>
      tpu.vector_store %arg8[%swap3A_60, %swap3A_61], %swap3A_64 {strides = array<i32>} : memref<128x128xf32, #tpu.memory_space<vmem>>, vector<1x16xf32>,
      %swap3A_65 = arith.index_cast %scan3A_40 : i32 to index
      %swap3A_66 = arith.constant 80 : index
      %swap3A_67 = tpu.vector_load %arg8[%swap3A_65, %swap3A_66] {strides = array<i32>} : memref<128x128xf32, #tpu.memory_space<vmem>>, vector<1x16xf32>,
      %swap3A_68 = vector.shape_cast %swap3A_67 : vector<1x16xf32> to vector<16xf32>
      %swap3A_69 = vector.shape_cast %broadcast_in_dim3A_2 : vector<16xf32> to vector<1x16xf32>
      tpu.vector_store %arg8[%swap3A_65, %swap3A_66], %swap3A_69 {strides = array<i32>} : memref<128x128xf32, #tpu.memory_space<vmem>>, vector<1x16xf32>,
      %swap3A_70 = arith.index_cast %scan3A_40 : i32 to index
      %swap3A_71 = arith.constant 96 : index
      %swap3A_72 = tpu.vector_load %arg8[%swap3A_70, %swap3A_71] {strides = array<i32>} : memref<128x128xf32, #tpu.memory_space<vmem>>, vector<1x16xf32>,
      %swap3A_73 = vector.shape_cast %swap3A_72 : vector<1x16xf32> to vector<16xf32>
      %swap3A_74 = vector.shape_cast %broadcast_in_dim3A_2 : vector<16xf32> to vector<1x16xf32>
      tpu.vector_store %arg8[%swap3A_70, %swap3A_71], %swap3A_74 {strides = array<i32>} : memref<128x128xf32, #tpu.memory_space<vmem>>, vector<1x16xf32>,
      %swap3A_75 = arith.index_cast %scan3A_40 : i32 to index
      %swap3A_76 = arith.constant 112 : index
      %swap3A_77 = tpu.vector_load %arg8[%swap3A_75, %swap3A_76] {strides = array<i32>} : memref<128x128xf32, #tpu.memory_space<vmem>>, vector<1x16xf32>,
      %swap3A_78 = vector.shape_cast %swap3A_77 : vector<1x16xf32> to vector<16xf32>
      %swap3A_79 = vector.shape_cast %broadcast_in_dim3A_2 : vector<16xf32> to vector<1x16xf32>
      tpu.vector_store %arg8[%swap3A_75, %swap3A_76], %swap3A_79 {strides = array<i32>} : memref<128x128xf32, #tpu.memory_space<vmem>>, vector<1x16xf32>,
    }
    %scan3A_21 = arith.constant 128 : i32
    %barrier3A = arith.constant 0 : index
    tpu.barrier barrier_id(%barrier3A)
    %mul3A_22 = arith.constant 160 : i32
    %mul3A_23 = arith.muli %arg1, %mul3A_22 : i32
    %mul3A_24 = arith.constant 5000 : i32
    %mul3A_25 = arith.muli %arg0, %mul3A_24 : i32
    %scan3A_26 = arith.constant 0 : i32
    %scan3A_27 = arith.constant 0 : i32
    %scan3A_28 = arith.constant 80 : i32
    %scan3A_29 = arith.addi %scan3A_27, %scan3A_28 : i32
    %scan3A_30 = arith.constant 1 : i32
    scf.for %scan3A_40 = %scan3A_27 to %scan3A_29 step %scan3A_30  : i32 {
      %mul3A_41 = arith.constant 2 : i32
      %mul3A_42 = arith.muli %mul3A_41, %scan3A_40 : i32
      %add3A_43 = arith.addi %mul3A_23, %mul3A_42 : i32
      %mul3A_44 = arith.constant 128 : i32
      %mul3A_45 = arith.muli %add3A_43, %mul3A_44 : i32
      %dma_start3A = tpu.memref_slice %arg2[%mul3A_45] : memref<327680xi32, #tpu.memory_space<hbm>> -> memref<128xi32, #tpu.memory_space<hbm>>
      %dma_start3A_46 = tpu.memref_slice %arg2[%mul3A_45] : memref<327680xi32, #tpu.memory_space<hbm>> -> memref<128xi32, #tpu.memory_space<hbm>>
      tpu.enqueue_dma source(%dma_start3A_46 : memref<128xi32, #tpu.memory_space<hbm>>) target(%arg5 : memref<128xi32, #tpu.memory_space<vmem>>) target_semaphore(%arg9 : memref<!tpu.dma_semaphore, #tpu.memory_space<semaphore_mem>>)
      %add3A_47 = arith.constant 128 : i32
      %add3A_48 = arith.addi %mul3A_45, %add3A_47 : i32
      %dma_start3A_49 = tpu.memref_slice %arg2[%add3A_48] : memref<327680xi32, #tpu.memory_space<hbm>> -> memref<128xi32, #tpu.memory_space<hbm>>
      %dma_start3A_50 = tpu.memref_slice %arg2[%add3A_48] : memref<327680xi32, #tpu.memory_space<hbm>> -> memref<128xi32, #tpu.memory_space<hbm>>
      tpu.enqueue_dma source(%dma_start3A_50 : memref<128xi32, #tpu.memory_space<hbm>>) target(%arg6 : memref<128xi32, #tpu.memory_space<vmem>>) target_semaphore(%arg10 : memref<!tpu.dma_semaphore, #tpu.memory_space<semaphore_mem>>)
      %dma_wait3A = tpu.memref_slice %arg2[%mul3A_45] : memref<327680xi32, #tpu.memory_space<hbm>> -> memref<128xi32, #tpu.memory_space<hbm>>
      %dma_wait3A_51 = tpu.memref_slice %arg2[%mul3A_45] : memref<327680xi32, #tpu.memory_space<hbm>> -> memref<128xi32, #tpu.memory_space<hbm>>
      tpu.wait_dma2 semaphore(%arg9 : memref<!tpu.dma_semaphore, #tpu.memory_space<semaphore_mem>>) src(%dma_wait3A_51 : memref<128xi32, #tpu.memory_space<hbm>>) dst(%arg5 : memref<128xi32, #tpu.memory_space<vmem>>)
      %get3A = arith.constant 0 : index
      %get3A_52 = tpu.vector_load %arg5[%get3A] {strides = array<i32>} : memref<128xi32, #tpu.memory_space<vmem>>, vector<16xi32>,
      %get3A_53 = vector.shape_cast %get3A_52 : vector<16xi32> to vector<16xi32>
      %ge3A = vector.broadcast %mul3A_25 : i32 to vector<16xi32>
      %ge3A_54 = arith.cmpi sge, %get3A_53, %ge3A : vector<16xi32>
      %add3A_55 = arith.constant 5000 : i32
      %add3A_56 = arith.addi %mul3A_25, %add3A_55 : i32
      %lt3A = vector.broadcast %add3A_56 : i32 to vector<16xi32>
      %lt3A_57 = arith.cmpi slt, %get3A_53, %lt3A : vector<16xi32>
      %and3A = arith.andi %ge3A_54, %lt3A_57 : vector<16xi1>
      %sub3A = vector.broadcast %mul3A_25 : i32 to vector<16xi32>
      %sub3A_58 = arith.subi %get3A_53, %sub3A : vector<16xi32>
      %jit3A = arith.constant 5100 : i32
      %broadcast_in_dim3A_59 = vector.broadcast %jit3A : i32 to vector<16xi32>
      %select_n3A = arith.select %and3A, %sub3A_58, %broadcast_in_dim3A_59 : vector<16xi1>, vector<16xi32>
      %swap3A = arith.constant 0 : index
      %swap3A_60 = tpu.vector_load %arg7[%swap3A] {strides = array<i32>} : memref<128xi32, #tpu.memory_space<vmem>>, vector<16xi32>,
      %swap3A_61 = vector.shape_cast %swap3A_60 : vector<16xi32> to vector<16xi32>
      %swap3A_62 = vector.shape_cast %select_n3A : vector<16xi32> to vector<16xi32>
      tpu.vector_store %arg7[%swap3A], %swap3A_62 {strides = array<i32>} : memref<128xi32, #tpu.memory_space<vmem>>, vector<16xi32>,
      %get3A_63 = arith.constant 16 : index
      %get3A_64 = tpu.vector_load %arg5[%get3A_63] {strides = array<i32>} : memref<128xi32, #tpu.memory_space<vmem>>, vector<16xi32>,
      %get3A_65 = vector.shape_cast %get3A_64 : vector<16xi32> to vector<16xi32>
      %ge3A_66 = vector.broadcast %mul3A_25 : i32 to vector<16xi32>
      %ge3A_67 = arith.cmpi sge, %get3A_65, %ge3A_66 : vector<16xi32>
      %add3A_68 = arith.constant 5000 : i32
      %add3A_69 = arith.addi %mul3A_25, %add3A_68 : i32
      %lt3A_70 = vector.broadcast %add3A_69 : i32 to vector<16xi32>
      %lt3A_71 = arith.cmpi slt, %get3A_65, %lt3A_70 : vector<16xi32>
      %and3A_72 = arith.andi %ge3A_67, %lt3A_71 : vector<16xi1>
      %sub3A_73 = vector.broadcast %mul3A_25 : i32 to vector<16xi32>
      %sub3A_74 = arith.subi %get3A_65, %sub3A_73 : vector<16xi32>
      %jit3A_75 = arith.constant 5100 : i32
      %broadcast_in_dim3A_76 = vector.broadcast %jit3A_75 : i32 to vector<16xi32>
      %select_n3A_77 = arith.select %and3A_72, %sub3A_74, %broadcast_in_dim3A_76 : vector<16xi1>, vector<16xi32>
      %swap3A_78 = arith.constant 16 : index
      %swap3A_79 = tpu.vector_load %arg7[%swap3A_78] {strides = array<i32>} : memref<128xi32, #tpu.memory_space<vmem>>, vector<16xi32>,
      %swap3A_80 = vector.shape_cast %swap3A_79 : vector<16xi32> to vector<16xi32>
      %swap3A_81 = vector.shape_cast %select_n3A_77 : vector<16xi32> to vector<16xi32>
      tpu.vector_store %arg7[%swap3A_78], %swap3A_81 {strides = array<i32>} : memref<128xi32, #tpu.memory_space<vmem>>, vector<16xi32>,
      %get3A_82 = arith.constant 32 : index
      %get3A_83 = tpu.vector_load %arg5[%get3A_82] {strides = array<i32>} : memref<128xi32, #tpu.memory_space<vmem>>, vector<16xi32>,
      %get3A_84 = vector.shape_cast %get3A_83 : vector<16xi32> to vector<16xi32>
      %ge3A_85 = vector.broadcast %mul3A_25 : i32 to vector<16xi32>
      %ge3A_86 = arith.cmpi sge, %get3A_84, %ge3A_85 : vector<16xi32>
      %add3A_87 = arith.constant 5000 : i32
      %add3A_88 = arith.addi %mul3A_25, %add3A_87 : i32
      %lt3A_89 = vector.broadcast %add3A_88 : i32 to vector<16xi32>
      %lt3A_90 = arith.cmpi slt, %get3A_84, %lt3A_89 : vector<16xi32>
      %and3A_91 = arith.andi %ge3A_86, %lt3A_90 : vector<16xi1>
      %sub3A_92 = vector.broadcast %mul3A_25 : i32 to vector<16xi32>
      %sub3A_93 = arith.subi %get3A_84, %sub3A_92 : vector<16xi32>
      %jit3A_94 = arith.constant 5100 : i32
      %broadcast_in_dim3A_95 = vector.broadcast %jit3A_94 : i32 to vector<16xi32>
      %select_n3A_96 = arith.select %and3A_91, %sub3A_93, %broadcast_in_dim3A_95 : vector<16xi1>, vector<16xi32>
      %swap3A_97 = arith.constant 32 : index
      %swap3A_98 = tpu.vector_load %arg7[%swap3A_97] {strides = array<i32>} : memref<128xi32, #tpu.memory_space<vmem>>, vector<16xi32>,
      %swap3A_99 = vector.shape_cast %swap3A_98 : vector<16xi32> to vector<16xi32>
      %swap3A_100 = vector.shape_cast %select_n3A_96 : vector<16xi32> to vector<16xi32>
      tpu.vector_store %arg7[%swap3A_97], %swap3A_100 {strides = array<i32>} : memref<128xi32, #tpu.memory_space<vmem>>, vector<16xi32>,
      %get3A_101 = arith.constant 48 : index
      %get3A_102 = tpu.vector_load %arg5[%get3A_101] {strides = array<i32>} : memref<128xi32, #tpu.memory_space<vmem>>, vector<16xi32>,
      %get3A_103 = vector.shape_cast %get3A_102 : vector<16xi32> to vector<16xi32>
      %ge3A_104 = vector.broadcast %mul3A_25 : i32 to vector<16xi32>
      %ge3A_105 = arith.cmpi sge, %get3A_103, %ge3A_104 : vector<16xi32>
      %add3A_106 = arith.constant 5000 : i32
      %add3A_107 = arith.addi %mul3A_25, %add3A_106 : i32
      %lt3A_108 = vector.broadcast %add3A_107 : i32 to vector<16xi32>
      %lt3A_109 = arith.cmpi slt, %get3A_103, %lt3A_108 : vector<16xi32>
      %and3A_110 = arith.andi %ge3A_105, %lt3A_109 : vector<16xi1>
      %sub3A_111 = vector.broadcast %mul3A_25 : i32 to vector<16xi32>
      %sub3A_112 = arith.subi %get3A_103, %sub3A_111 : vector<16xi32>
      %jit3A_113 = arith.constant 5100 : i32
      %broadcast_in_dim3A_114 = vector.broadcast %jit3A_113 : i32 to vector<16xi32>
      %select_n3A_115 = arith.select %and3A_110, %sub3A_112, %broadcast_in_dim3A_114 : vector<16xi1>, vector<16xi32>
      %swap3A_116 = arith.constant 48 : index
      %swap3A_117 = tpu.vector_load %arg7[%swap3A_116] {strides = array<i32>} : memref<128xi32, #tpu.memory_space<vmem>>, vector<16xi32>,
      %swap3A_118 = vector.shape_cast %swap3A_117 : vector<16xi32> to vector<16xi32>
      %swap3A_119 = vector.shape_cast %select_n3A_115 : vector<16xi32> to vector<16xi32>
      tpu.vector_store %arg7[%swap3A_116], %swap3A_119 {strides = array<i32>} : memref<128xi32, #tpu.memory_space<vmem>>, vector<16xi32>,
      %get3A_120 = arith.constant 64 : index
      %get3A_121 = tpu.vector_load %arg5[%get3A_120] {strides = array<i32>} : memref<128xi32, #tpu.memory_space<vmem>>, vector<16xi32>,
      %get3A_122 = vector.shape_cast %get3A_121 : vector<16xi32> to vector<16xi32>
      %ge3A_123 = vector.broadcast %mul3A_25 : i32 to vector<16xi32>
      %ge3A_124 = arith.cmpi sge, %get3A_122, %ge3A_123 : vector<16xi32>
      %add3A_125 = arith.constant 5000 : i32
      %add3A_126 = arith.addi %mul3A_25, %add3A_125 : i32
      %lt3A_127 = vector.broadcast %add3A_126 : i32 to vector<16xi32>
      %lt3A_128 = arith.cmpi slt, %get3A_122, %lt3A_127 : vector<16xi32>
      %and3A_129 = arith.andi %ge3A_124, %lt3A_128 : vector<16xi1>
      %sub3A_130 = vector.broadcast %mul3A_25 : i32 to vector<16xi32>
      %sub3A_131 = arith.subi %get3A_122, %sub3A_130 : vector<16xi32>
      %jit3A_132 = arith.constant 5100 : i32
      %broadcast_in_dim3A_133 = vector.broadcast %jit3A_132 : i32 to vector<16xi32>
      %select_n3A_134 = arith.select %and3A_129, %sub3A_131, %broadcast_in_dim3A_133 : vector<16xi1>, vector<16xi32>
      %swap3A_135 = arith.constant 64 : index
      %swap3A_136 = tpu.vector_load %arg7[%swap3A_135] {strides = array<i32>} : memref<128xi32, #tpu.memory_space<vmem>>, vector<16xi32>,
      %swap3A_137 = vector.shape_cast %swap3A_136 : vector<16xi32> to vector<16xi32>
      %swap3A_138 = vector.shape_cast %select_n3A_134 : vector<16xi32> to vector<16xi32>
      tpu.vector_store %arg7[%swap3A_135], %swap3A_138 {strides = array<i32>} : memref<128xi32, #tpu.memory_space<vmem>>, vector<16xi32>,
      %get3A_139 = arith.constant 80 : index
      %get3A_140 = tpu.vector_load %arg5[%get3A_139] {strides = array<i32>} : memref<128xi32, #tpu.memory_space<vmem>>, vector<16xi32>,
      %get3A_141 = vector.shape_cast %get3A_140 : vector<16xi32> to vector<16xi32>
      %ge3A_142 = vector.broadcast %mul3A_25 : i32 to vector<16xi32>
      %ge3A_143 = arith.cmpi sge, %get3A_141, %ge3A_142 : vector<16xi32>
      %add3A_144 = arith.constant 5000 : i32
      %add3A_145 = arith.addi %mul3A_25, %add3A_144 : i32
      %lt3A_146 = vector.broadcast %add3A_145 : i32 to vector<16xi32>
      %lt3A_147 = arith.cmpi slt, %get3A_141, %lt3A_146 : vector<16xi32>
      %and3A_148 = arith.andi %ge3A_143, %lt3A_147 : vector<16xi1>
      %sub3A_149 = vector.broadcast %mul3A_25 : i32 to vector<16xi32>
      %sub3A_150 = arith.subi %get3A_141, %sub3A_149 : vector<16xi32>
      %jit3A_151 = arith.constant 5100 : i32
      %broadcast_in_dim3A_152 = vector.broadcast %jit3A_151 : i32 to vector<16xi32>
      %select_n3A_153 = arith.select %and3A_148, %sub3A_150, %broadcast_in_dim3A_152 : vector<16xi1>, vector<16xi32>
      %swap3A_154 = arith.constant 80 : index
      %swap3A_155 = tpu.vector_load %arg7[%swap3A_154] {strides = array<i32>} : memref<128xi32, #tpu.memory_space<vmem>>, vector<16xi32>,
      %swap3A_156 = vector.shape_cast %swap3A_155 : vector<16xi32> to vector<16xi32>
      %swap3A_157 = vector.shape_cast %select_n3A_153 : vector<16xi32> to vector<16xi32>
      tpu.vector_store %arg7[%swap3A_154], %swap3A_157 {strides = array<i32>} : memref<128xi32, #tpu.memory_space<vmem>>, vector<16xi32>,
      %get3A_158 = arith.constant 96 : index
      %get3A_159 = tpu.vector_load %arg5[%get3A_158] {strides = array<i32>} : memref<128xi32, #tpu.memory_space<vmem>>, vector<16xi32>,
      %get3A_160 = vector.shape_cast %get3A_159 : vector<16xi32> to vector<16xi32>
      %ge3A_161 = vector.broadcast %mul3A_25 : i32 to vector<16xi32>
      %ge3A_162 = arith.cmpi sge, %get3A_160, %ge3A_161 : vector<16xi32>
      %add3A_163 = arith.constant 5000 : i32
      %add3A_164 = arith.addi %mul3A_25, %add3A_163 : i32
      %lt3A_165 = vector.broadcast %add3A_164 : i32 to vector<16xi32>
      %lt3A_166 = arith.cmpi slt, %get3A_160, %lt3A_165 : vector<16xi32>
      %and3A_167 = arith.andi %ge3A_162, %lt3A_166 : vector<16xi1>
      %sub3A_168 = vector.broadcast %mul3A_25 : i32 to vector<16xi32>
      %sub3A_169 = arith.subi %get3A_160, %sub3A_168 : vector<16xi32>
      %jit3A_170 = arith.constant 5100 : i32
      %broadcast_in_dim3A_171 = vector.broadcast %jit3A_170 : i32 to vector<16xi32>
      %select_n3A_172 = arith.select %and3A_167, %sub3A_169, %broadcast_in_dim3A_171 : vector<16xi1>, vector<16xi32>
      %swap3A_173 = arith.constant 96 : index
      %swap3A_174 = tpu.vector_load %arg7[%swap3A_173] {strides = array<i32>} : memref<128xi32, #tpu.memory_space<vmem>>, vector<16xi32>,
      %swap3A_175 = vector.shape_cast %swap3A_174 : vector<16xi32> to vector<16xi32>
      %swap3A_176 = vector.shape_cast %select_n3A_172 : vector<16xi32> to vector<16xi32>
      tpu.vector_store %arg7[%swap3A_173], %swap3A_176 {strides = array<i32>} : memref<128xi32, #tpu.memory_space<vmem>>, vector<16xi32>,
      %get3A_177 = arith.constant 112 : index
      %get3A_178 = tpu.vector_load %arg5[%get3A_177] {strides = array<i32>} : memref<128xi32, #tpu.memory_space<vmem>>, vector<16xi32>,
      %get3A_179 = vector.shape_cast %get3A_178 : vector<16xi32> to vector<16xi32>
      %ge3A_180 = vector.broadcast %mul3A_25 : i32 to vector<16xi32>
      %ge3A_181 = arith.cmpi sge, %get3A_179, %ge3A_180 : vector<16xi32>
      %add3A_182 = arith.constant 5000 : i32
      %add3A_183 = arith.addi %mul3A_25, %add3A_182 : i32
      %lt3A_184 = vector.broadcast %add3A_183 : i32 to vector<16xi32>
      %lt3A_185 = arith.cmpi slt, %get3A_179, %lt3A_184 : vector<16xi32>
      %and3A_186 = arith.andi %ge3A_181, %lt3A_185 : vector<16xi1>
      %sub3A_187 = vector.broadcast %mul3A_25 : i32 to vector<16xi32>
      %sub3A_188 = arith.subi %get3A_179, %sub3A_187 : vector<16xi32>
      %jit3A_189 = arith.constant 5100 : i32
      %broadcast_in_dim3A_190 = vector.broadcast %jit3A_189 : i32 to vector<16xi32>
      %select_n3A_191 = arith.select %and3A_186, %sub3A_188, %broadcast_in_dim3A_190 : vector<16xi1>, vector<16xi32>
      %swap3A_192 = arith.constant 112 : index
      %swap3A_193 = tpu.vector_load %arg7[%swap3A_192] {strides = array<i32>} : memref<128xi32, #tpu.memory_space<vmem>>, vector<16xi32>,
      %swap3A_194 = vector.shape_cast %swap3A_193 : vector<16xi32> to vector<16xi32>
      %swap3A_195 = vector.shape_cast %select_n3A_191 : vector<16xi32> to vector<16xi32>
      tpu.vector_store %arg7[%swap3A_192], %swap3A_195 {strides = array<i32>} : memref<128xi32, #tpu.memory_space<vmem>>, vector<16xi32>,
      "tpu.region"() ({
        %run_scoped3A = tpu.sem_alloc : memref<!tpu.dma_semaphore, #tpu.memory_space<semaphore_mem>>
        %dma_start3A_350 = arith.constant 0 : i32
        %dma_start3A_351 = arith.constant 0 : i32
        %dma_start3A_352 = tpu.memref_slice %arg4[%dma_start3A_350, %dma_start3A_351] : memref<5120x128xf32, #tpu.memory_space<vmem_shared>> -> memref<5120x128xf32, #tpu.memory_space<vmem_shared>>
        tpu.enqueue_indirect_dma source(%arg8 : memref<128x128xf32, #tpu.memory_space<vmem>>) target(%dma_start3A_352 : memref<5120x128xf32, #tpu.memory_space<vmem_shared>>) offsets(%arg7 : memref<128xi32, #tpu.memory_space<vmem>>) semaphore(%run_scoped3A : memref<!tpu.dma_semaphore, #tpu.memory_space<semaphore_mem>>) {add = true}
        %dma_wait3A_353 = arith.constant 0 : i32
        %dma_wait3A_354 = arith.constant 0 : i32
        %dma_wait3A_355 = tpu.memref_slice %arg4[%dma_wait3A_353, %dma_wait3A_354] : memref<5120x128xf32, #tpu.memory_space<vmem_shared>> -> memref<5120x128xf32, #tpu.memory_space<vmem_shared>>
        tpu.wait_indirect_dma semaphore(%run_scoped3A : memref<!tpu.dma_semaphore, #tpu.memory_space<semaphore_mem>>) src(%arg8 : memref<128x128xf32, #tpu.memory_space<vmem>>) dst(%dma_wait3A_355 : memref<5120x128xf32, #tpu.memory_space<vmem_shared>>)
        tpu.yield
      }) : () -> ()
      %dma_wait3A_196 = tpu.memref_slice %arg2[%add3A_48] : memref<327680xi32, #tpu.memory_space<hbm>> -> memref<128xi32, #tpu.memory_space<hbm>>
      %dma_wait3A_197 = tpu.memref_slice %arg2[%add3A_48] : memref<327680xi32, #tpu.memory_space<hbm>> -> memref<128xi32, #tpu.memory_space<hbm>>
      tpu.wait_dma2 semaphore(%arg10 : memref<!tpu.dma_semaphore, #tpu.memory_space<semaphore_mem>>) src(%dma_wait3A_197 : memref<128xi32, #tpu.memory_space<hbm>>) dst(%arg6 : memref<128xi32, #tpu.memory_space<vmem>>)
      %get3A_198 = arith.constant 0 : index
      %get3A_199 = tpu.vector_load %arg6[%get3A_198] {strides = array<i32>} : memref<128xi32, #tpu.memory_space<vmem>>, vector<16xi32>,
      %get3A_200 = vector.shape_cast %get3A_199 : vector<16xi32> to vector<16xi32>
      %ge3A_201 = vector.broadcast %mul3A_25 : i32 to vector<16xi32>
      %ge3A_202 = arith.cmpi sge, %get3A_200, %ge3A_201 : vector<16xi32>
      %add3A_203 = arith.constant 5000 : i32
      %add3A_204 = arith.addi %mul3A_25, %add3A_203 : i32
      %lt3A_205 = vector.broadcast %add3A_204 : i32 to vector<16xi32>
      %lt3A_206 = arith.cmpi slt, %get3A_200, %lt3A_205 : vector<16xi32>
      %and3A_207 = arith.andi %ge3A_202, %lt3A_206 : vector<16xi1>
      %sub3A_208 = vector.broadcast %mul3A_25 : i32 to vector<16xi32>
      %sub3A_209 = arith.subi %get3A_200, %sub3A_208 : vector<16xi32>
      %jit3A_210 = arith.constant 5100 : i32
      %broadcast_in_dim3A_211 = vector.broadcast %jit3A_210 : i32 to vector<16xi32>
      %select_n3A_212 = arith.select %and3A_207, %sub3A_209, %broadcast_in_dim3A_211 : vector<16xi1>, vector<16xi32>
      %swap3A_213 = arith.constant 0 : index
      %swap3A_214 = tpu.vector_load %arg7[%swap3A_213] {strides = array<i32>} : memref<128xi32, #tpu.memory_space<vmem>>, vector<16xi32>,
      %swap3A_215 = vector.shape_cast %swap3A_214 : vector<16xi32> to vector<16xi32>
      %swap3A_216 = vector.shape_cast %select_n3A_212 : vector<16xi32> to vector<16xi32>
      tpu.vector_store %arg7[%swap3A_213], %swap3A_216 {strides = array<i32>} : memref<128xi32, #tpu.memory_space<vmem>>, vector<16xi32>,
      %get3A_217 = arith.constant 16 : index
      %get3A_218 = tpu.vector_load %arg6[%get3A_217] {strides = array<i32>} : memref<128xi32, #tpu.memory_space<vmem>>, vector<16xi32>,
      %get3A_219 = vector.shape_cast %get3A_218 : vector<16xi32> to vector<16xi32>
      %ge3A_220 = vector.broadcast %mul3A_25 : i32 to vector<16xi32>
      %ge3A_221 = arith.cmpi sge, %get3A_219, %ge3A_220 : vector<16xi32>
      %add3A_222 = arith.constant 5000 : i32
      %add3A_223 = arith.addi %mul3A_25, %add3A_222 : i32
      %lt3A_224 = vector.broadcast %add3A_223 : i32 to vector<16xi32>
      %lt3A_225 = arith.cmpi slt, %get3A_219, %lt3A_224 : vector<16xi32>
      %and3A_226 = arith.andi %ge3A_221, %lt3A_225 : vector<16xi1>
      %sub3A_227 = vector.broadcast %mul3A_25 : i32 to vector<16xi32>
      %sub3A_228 = arith.subi %get3A_219, %sub3A_227 : vector<16xi32>
      %jit3A_229 = arith.constant 5100 : i32
      %broadcast_in_dim3A_230 = vector.broadcast %jit3A_229 : i32 to vector<16xi32>
      %select_n3A_231 = arith.select %and3A_226, %sub3A_228, %broadcast_in_dim3A_230 : vector<16xi1>, vector<16xi32>
      %swap3A_232 = arith.constant 16 : index
      %swap3A_233 = tpu.vector_load %arg7[%swap3A_232] {strides = array<i32>} : memref<128xi32, #tpu.memory_space<vmem>>, vector<16xi32>,
      %swap3A_234 = vector.shape_cast %swap3A_233 : vector<16xi32> to vector<16xi32>
      %swap3A_235 = vector.shape_cast %select_n3A_231 : vector<16xi32> to vector<16xi32>
      tpu.vector_store %arg7[%swap3A_232], %swap3A_235 {strides = array<i32>} : memref<128xi32, #tpu.memory_space<vmem>>, vector<16xi32>,
      %get3A_236 = arith.constant 32 : index
      %get3A_237 = tpu.vector_load %arg6[%get3A_236] {strides = array<i32>} : memref<128xi32, #tpu.memory_space<vmem>>, vector<16xi32>,
      %get3A_238 = vector.shape_cast %get3A_237 : vector<16xi32> to vector<16xi32>
      %ge3A_239 = vector.broadcast %mul3A_25 : i32 to vector<16xi32>
      %ge3A_240 = arith.cmpi sge, %get3A_238, %ge3A_239 : vector<16xi32>
      %add3A_241 = arith.constant 5000 : i32
      %add3A_242 = arith.addi %mul3A_25, %add3A_241 : i32
      %lt3A_243 = vector.broadcast %add3A_242 : i32 to vector<16xi32>
      %lt3A_244 = arith.cmpi slt, %get3A_238, %lt3A_243 : vector<16xi32>
      %and3A_245 = arith.andi %ge3A_240, %lt3A_244 : vector<16xi1>
      %sub3A_246 = vector.broadcast %mul3A_25 : i32 to vector<16xi32>
      %sub3A_247 = arith.subi %get3A_238, %sub3A_246 : vector<16xi32>
      %jit3A_248 = arith.constant 5100 : i32
      %broadcast_in_dim3A_249 = vector.broadcast %jit3A_248 : i32 to vector<16xi32>
      %select_n3A_250 = arith.select %and3A_245, %sub3A_247, %broadcast_in_dim3A_249 : vector<16xi1>, vector<16xi32>
      %swap3A_251 = arith.constant 32 : index
      %swap3A_252 = tpu.vector_load %arg7[%swap3A_251] {strides = array<i32>} : memref<128xi32, #tpu.memory_space<vmem>>, vector<16xi32>,
      %swap3A_253 = vector.shape_cast %swap3A_252 : vector<16xi32> to vector<16xi32>
      %swap3A_254 = vector.shape_cast %select_n3A_250 : vector<16xi32> to vector<16xi32>
      tpu.vector_store %arg7[%swap3A_251], %swap3A_254 {strides = array<i32>} : memref<128xi32, #tpu.memory_space<vmem>>, vector<16xi32>,
      %get3A_255 = arith.constant 48 : index
      %get3A_256 = tpu.vector_load %arg6[%get3A_255] {strides = array<i32>} : memref<128xi32, #tpu.memory_space<vmem>>, vector<16xi32>,
      %get3A_257 = vector.shape_cast %get3A_256 : vector<16xi32> to vector<16xi32>
      %ge3A_258 = vector.broadcast %mul3A_25 : i32 to vector<16xi32>
      %ge3A_259 = arith.cmpi sge, %get3A_257, %ge3A_258 : vector<16xi32>
      %add3A_260 = arith.constant 5000 : i32
      %add3A_261 = arith.addi %mul3A_25, %add3A_260 : i32
      %lt3A_262 = vector.broadcast %add3A_261 : i32 to vector<16xi32>
      %lt3A_263 = arith.cmpi slt, %get3A_257, %lt3A_262 : vector<16xi32>
      %and3A_264 = arith.andi %ge3A_259, %lt3A_263 : vector<16xi1>
      %sub3A_265 = vector.broadcast %mul3A_25 : i32 to vector<16xi32>
      %sub3A_266 = arith.subi %get3A_257, %sub3A_265 : vector<16xi32>
      %jit3A_267 = arith.constant 5100 : i32
      %broadcast_in_dim3A_268 = vector.broadcast %jit3A_267 : i32 to vector<16xi32>
      %select_n3A_269 = arith.select %and3A_264, %sub3A_266, %broadcast_in_dim3A_268 : vector<16xi1>, vector<16xi32>
      %swap3A_270 = arith.constant 48 : index
      %swap3A_271 = tpu.vector_load %arg7[%swap3A_270] {strides = array<i32>} : memref<128xi32, #tpu.memory_space<vmem>>, vector<16xi32>,
      %swap3A_272 = vector.shape_cast %swap3A_271 : vector<16xi32> to vector<16xi32>
      %swap3A_273 = vector.shape_cast %select_n3A_269 : vector<16xi32> to vector<16xi32>
      tpu.vector_store %arg7[%swap3A_270], %swap3A_273 {strides = array<i32>} : memref<128xi32, #tpu.memory_space<vmem>>, vector<16xi32>,
      %get3A_274 = arith.constant 64 : index
      %get3A_275 = tpu.vector_load %arg6[%get3A_274] {strides = array<i32>} : memref<128xi32, #tpu.memory_space<vmem>>, vector<16xi32>,
      %get3A_276 = vector.shape_cast %get3A_275 : vector<16xi32> to vector<16xi32>
      %ge3A_277 = vector.broadcast %mul3A_25 : i32 to vector<16xi32>
      %ge3A_278 = arith.cmpi sge, %get3A_276, %ge3A_277 : vector<16xi32>
      %add3A_279 = arith.constant 5000 : i32
      %add3A_280 = arith.addi %mul3A_25, %add3A_279 : i32
      %lt3A_281 = vector.broadcast %add3A_280 : i32 to vector<16xi32>
      %lt3A_282 = arith.cmpi slt, %get3A_276, %lt3A_281 : vector<16xi32>
      %and3A_283 = arith.andi %ge3A_278, %lt3A_282 : vector<16xi1>
      %sub3A_284 = vector.broadcast %mul3A_25 : i32 to vector<16xi32>
      %sub3A_285 = arith.subi %get3A_276, %sub3A_284 : vector<16xi32>
      %jit3A_286 = arith.constant 5100 : i32
      %broadcast_in_dim3A_287 = vector.broadcast %jit3A_286 : i32 to vector<16xi32>
      %select_n3A_288 = arith.select %and3A_283, %sub3A_285, %broadcast_in_dim3A_287 : vector<16xi1>, vector<16xi32>
      %swap3A_289 = arith.constant 64 : index
      %swap3A_290 = tpu.vector_load %arg7[%swap3A_289] {strides = array<i32>} : memref<128xi32, #tpu.memory_space<vmem>>, vector<16xi32>,
      %swap3A_291 = vector.shape_cast %swap3A_290 : vector<16xi32> to vector<16xi32>
      %swap3A_292 = vector.shape_cast %select_n3A_288 : vector<16xi32> to vector<16xi32>
      tpu.vector_store %arg7[%swap3A_289], %swap3A_292 {strides = array<i32>} : memref<128xi32, #tpu.memory_space<vmem>>, vector<16xi32>,
      %get3A_293 = arith.constant 80 : index
      %get3A_294 = tpu.vector_load %arg6[%get3A_293] {strides = array<i32>} : memref<128xi32, #tpu.memory_space<vmem>>, vector<16xi32>,
      %get3A_295 = vector.shape_cast %get3A_294 : vector<16xi32> to vector<16xi32>
      %ge3A_296 = vector.broadcast %mul3A_25 : i32 to vector<16xi32>
      %ge3A_297 = arith.cmpi sge, %get3A_295, %ge3A_296 : vector<16xi32>
      %add3A_298 = arith.constant 5000 : i32
      %add3A_299 = arith.addi %mul3A_25, %add3A_298 : i32
      %lt3A_300 = vector.broadcast %add3A_299 : i32 to vector<16xi32>
      %lt3A_301 = arith.cmpi slt, %get3A_295, %lt3A_300 : vector<16xi32>
      %and3A_302 = arith.andi %ge3A_297, %lt3A_301 : vector<16xi1>
      %sub3A_303 = vector.broadcast %mul3A_25 : i32 to vector<16xi32>
      %sub3A_304 = arith.subi %get3A_295, %sub3A_303 : vector<16xi32>
      %jit3A_305 = arith.constant 5100 : i32
      %broadcast_in_dim3A_306 = vector.broadcast %jit3A_305 : i32 to vector<16xi32>
      %select_n3A_307 = arith.select %and3A_302, %sub3A_304, %broadcast_in_dim3A_306 : vector<16xi1>, vector<16xi32>
      %swap3A_308 = arith.constant 80 : index
      %swap3A_309 = tpu.vector_load %arg7[%swap3A_308] {strides = array<i32>} : memref<128xi32, #tpu.memory_space<vmem>>, vector<16xi32>,
      %swap3A_310 = vector.shape_cast %swap3A_309 : vector<16xi32> to vector<16xi32>
      %swap3A_311 = vector.shape_cast %select_n3A_307 : vector<16xi32> to vector<16xi32>
      tpu.vector_store %arg7[%swap3A_308], %swap3A_311 {strides = array<i32>} : memref<128xi32, #tpu.memory_space<vmem>>, vector<16xi32>,
      %get3A_312 = arith.constant 96 : index
      %get3A_313 = tpu.vector_load %arg6[%get3A_312] {strides = array<i32>} : memref<128xi32, #tpu.memory_space<vmem>>, vector<16xi32>,
      %get3A_314 = vector.shape_cast %get3A_313 : vector<16xi32> to vector<16xi32>
      %ge3A_315 = vector.broadcast %mul3A_25 : i32 to vector<16xi32>
      %ge3A_316 = arith.cmpi sge, %get3A_314, %ge3A_315 : vector<16xi32>
      %add3A_317 = arith.constant 5000 : i32
      %add3A_318 = arith.addi %mul3A_25, %add3A_317 : i32
      %lt3A_319 = vector.broadcast %add3A_318 : i32 to vector<16xi32>
      %lt3A_320 = arith.cmpi slt, %get3A_314, %lt3A_319 : vector<16xi32>
      %and3A_321 = arith.andi %ge3A_316, %lt3A_320 : vector<16xi1>
      %sub3A_322 = vector.broadcast %mul3A_25 : i32 to vector<16xi32>
      %sub3A_323 = arith.subi %get3A_314, %sub3A_322 : vector<16xi32>
      %jit3A_324 = arith.constant 5100 : i32
      %broadcast_in_dim3A_325 = vector.broadcast %jit3A_324 : i32 to vector<16xi32>
      %select_n3A_326 = arith.select %and3A_321, %sub3A_323, %broadcast_in_dim3A_325 : vector<16xi1>, vector<16xi32>
      %swap3A_327 = arith.constant 96 : index
      %swap3A_328 = tpu.vector_load %arg7[%swap3A_327] {strides = array<i32>} : memref<128xi32, #tpu.memory_space<vmem>>, vector<16xi32>,
      %swap3A_329 = vector.shape_cast %swap3A_328 : vector<16xi32> to vector<16xi32>
      %swap3A_330 = vector.shape_cast %select_n3A_326 : vector<16xi32> to vector<16xi32>
      tpu.vector_store %arg7[%swap3A_327], %swap3A_330 {strides = array<i32>} : memref<128xi32, #tpu.memory_space<vmem>>, vector<16xi32>,
      %get3A_331 = arith.constant 112 : index
      %get3A_332 = tpu.vector_load %arg6[%get3A_331] {strides = array<i32>} : memref<128xi32, #tpu.memory_space<vmem>>, vector<16xi32>,
      %get3A_333 = vector.shape_cast %get3A_332 : vector<16xi32> to vector<16xi32>
      %ge3A_334 = vector.broadcast %mul3A_25 : i32 to vector<16xi32>
      %ge3A_335 = arith.cmpi sge, %get3A_333, %ge3A_334 : vector<16xi32>
      %add3A_336 = arith.constant 5000 : i32
      %add3A_337 = arith.addi %mul3A_25, %add3A_336 : i32
      %lt3A_338 = vector.broadcast %add3A_337 : i32 to vector<16xi32>
      %lt3A_339 = arith.cmpi slt, %get3A_333, %lt3A_338 : vector<16xi32>
      %and3A_340 = arith.andi %ge3A_335, %lt3A_339 : vector<16xi1>
      %sub3A_341 = vector.broadcast %mul3A_25 : i32 to vector<16xi32>
      %sub3A_342 = arith.subi %get3A_333, %sub3A_341 : vector<16xi32>
      %jit3A_343 = arith.constant 5100 : i32
      %broadcast_in_dim3A_344 = vector.broadcast %jit3A_343 : i32 to vector<16xi32>
      %select_n3A_345 = arith.select %and3A_340, %sub3A_342, %broadcast_in_dim3A_344 : vector<16xi1>, vector<16xi32>
      %swap3A_346 = arith.constant 112 : index
      %swap3A_347 = tpu.vector_load %arg7[%swap3A_346] {strides = array<i32>} : memref<128xi32, #tpu.memory_space<vmem>>, vector<16xi32>,
      %swap3A_348 = vector.shape_cast %swap3A_347 : vector<16xi32> to vector<16xi32>
      %swap3A_349 = vector.shape_cast %select_n3A_345 : vector<16xi32> to vector<16xi32>
      tpu.vector_store %arg7[%swap3A_346], %swap3A_349 {strides = array<i32>} : memref<128xi32, #tpu.memory_space<vmem>>, vector<16xi32>,
      "tpu.region"() ({
        %run_scoped3A = tpu.sem_alloc : memref<!tpu.dma_semaphore, #tpu.memory_space<semaphore_mem>>
        %dma_start3A_350 = arith.constant 0 : i32
        %dma_start3A_351 = arith.constant 0 : i32
        %dma_start3A_352 = tpu.memref_slice %arg4[%dma_start3A_350, %dma_start3A_351] : memref<5120x128xf32, #tpu.memory_space<vmem_shared>> -> memref<5120x128xf32, #tpu.memory_space<vmem_shared>>
        tpu.enqueue_indirect_dma source(%arg8 : memref<128x128xf32, #tpu.memory_space<vmem>>) target(%dma_start3A_352 : memref<5120x128xf32, #tpu.memory_space<vmem_shared>>) offsets(%arg7 : memref<128xi32, #tpu.memory_space<vmem>>) semaphore(%run_scoped3A : memref<!tpu.dma_semaphore, #tpu.memory_space<semaphore_mem>>) {add = true}
        %dma_wait3A_353 = arith.constant 0 : i32
        %dma_wait3A_354 = arith.constant 0 : i32
        %dma_wait3A_355 = tpu.memref_slice %arg4[%dma_wait3A_353, %dma_wait3A_354] : memref<5120x128xf32, #tpu.memory_space<vmem_shared>> -> memref<5120x128xf32, #tpu.memory_space<vmem_shared>>
        tpu.wait_indirect_dma semaphore(%run_scoped3A : memref<!tpu.dma_semaphore, #tpu.memory_space<semaphore_mem>>) src(%arg8 : memref<128x128xf32, #tpu.memory_space<vmem>>) dst(%dma_wait3A_355 : memref<5120x128xf32, #tpu.memory_space<vmem_shared>>)
        tpu.yield
      }) : () -> ()
    }
    %scan3A_31 = arith.constant 80 : i32
    %barrier3A_32 = arith.constant 0 : index
    tpu.barrier barrier_id(%barrier3A_32)
    %mul3A_33 = arith.constant 320 : i32
    %mul3A_34 = arith.muli %arg1, %mul3A_33 : i32
    %mul3A_35 = arith.constant 5120 : i32
    %mul3A_36 = arith.muli %arg0, %mul3A_35 : i32
    %mul3A_37 = arith.constant 320 : i32
    %mul3A_38 = arith.muli %arg1, %mul3A_37 : i32
    %add3A_39 = arith.addi %mul3A_36, %mul3A_38 : i32
    "tpu.region"() ({
      %run_scoped3A = tpu.sem_alloc : memref<!tpu.dma_semaphore, #tpu.memory_space<semaphore_mem>>
      %dma_start3A = arith.constant 0 : i32
      %dma_start3A_40 = tpu.memref_slice %arg3[%add3A_39, %dma_start3A] : memref<10240x128xf32, #tpu.memory_space<hbm>> -> memref<320x128xf32, #tpu.memory_space<hbm>>
      %dma_start3A_41 = arith.constant 0 : i32
      %dma_start3A_42 = tpu.memref_slice %arg4[%mul3A_34, %dma_start3A_41] : memref<5120x128xf32, #tpu.memory_space<vmem_shared>> -> memref<320x128xf32, #tpu.memory_space<vmem_shared>>
      tpu.enqueue_dma source(%dma_start3A_42 : memref<320x128xf32, #tpu.memory_space<vmem_shared>>) target(%dma_start3A_40 : memref<320x128xf32, #tpu.memory_space<hbm>>) target_semaphore(%run_scoped3A : memref<!tpu.dma_semaphore, #tpu.memory_space<semaphore_mem>>)
      %dma_wait3A = arith.constant 0 : i32
      %dma_wait3A_43 = tpu.memref_slice %arg3[%add3A_39, %dma_wait3A] : memref<10240x128xf32, #tpu.memory_space<hbm>> -> memref<320x128xf32, #tpu.memory_space<hbm>>
      %dma_wait3A_44 = arith.constant 0 : i32
      %dma_wait3A_45 = tpu.memref_slice %arg4[%mul3A_34, %dma_wait3A_44] : memref<5120x128xf32, #tpu.memory_space<vmem_shared>> -> memref<320x128xf32, #tpu.memory_space<vmem_shared>>
      tpu.wait_dma2 semaphore(%run_scoped3A : memref<!tpu.dma_semaphore, #tpu.memory_space<semaphore_mem>>) src(%dma_wait3A_45 : memref<320x128xf32, #tpu.memory_space<vmem_shared>>) dst(%dma_wait3A_43 : memref<320x128xf32, #tpu.memory_space<hbm>>)
      tpu.yield
    }) : () -> ()
    return
  }
}

#map = affine_map<(d0, d1) -> (0, 0)>
#map1 = affine_map<(d0, d1) -> (0)>
module attributes {stable_mosaic.version = 14 : i64} {
  func.func @body(%arg0: i32, %arg1: i32, %arg2: memref<10000x128xf32, #tpu.memory_space<hbm>>, %arg3: memref<327680xi32, #tpu.memory_space<hbm>>, %arg4: memref<327680xi32, #tpu.memory_space<hbm>>, %arg5: memref<20480x128xf32, #tpu.memory_space<hbm>>, %arg6: memref<10240x128xf32, #tpu.memory_space<vmem_shared>>, %arg7: memref<128xi32, #tpu.memory_space<vmem>>, %arg8: memref<128xi32, #tpu.memory_space<vmem>>, %arg9: memref<128xi32, #tpu.memory_space<vmem>>, %arg10: memref<128xi32, #tpu.memory_space<vmem>>, %arg11: memref<128xi32, #tpu.memory_space<vmem>>, %arg12: memref<128x128xf32, #tpu.memory_space<vmem>>, %arg13: memref<128x128xf32, #tpu.memory_space<vmem>>, %arg14: memref<!tpu.dma_semaphore, #tpu.memory_space<semaphore_mem>>, %arg15: memref<!tpu.dma_semaphore, #tpu.memory_space<semaphore_mem>>) attributes {dimension_semantics = [#tpu.dimension_semantics<core_parallel>, #tpu.dimension_semantics<subcore_parallel>], iteration_bounds = array<i64: 2, 16>, scalar_prefetch = 0 : i64, scratch_operands = 10 : i64, tpu.core_type = #tpu.core_type<sc_vector_subcore>, window_params = [{transform_indices = #map}, {transform_indices = #map1}, {transform_indices = #map1}, {transform_indices = #map}]} {
    %broadcast_in_dim3A = arith.constant 0.000000e+00 : f32
    %broadcast_in_dim3A_0 = vector.broadcast %broadcast_in_dim3A : f32 to vector<16xf32>
    %scan3A = arith.constant 0 : i32
    %scan3A_1 = arith.constant 0 : i32
    %scan3A_2 = arith.constant 128 : i32
    %scan3A_3 = arith.addi %scan3A_1, %scan3A_2 : i32
    %scan3A_4 = arith.constant 1 : i32
    scf.for %scan3A_28 = %scan3A_1 to %scan3A_3 step %scan3A_4  : i32 {
      %swap3A = arith.index_cast %scan3A_28 : i32 to index
      %swap3A_29 = arith.constant 0 : index
      %swap3A_30 = tpu.vector_load %arg12[%swap3A, %swap3A_29] {strides = array<i32>} : memref<128x128xf32, #tpu.memory_space<vmem>>, vector<1x16xf32>,
      %swap3A_31 = vector.shape_cast %swap3A_30 : vector<1x16xf32> to vector<16xf32>
      %swap3A_32 = vector.shape_cast %broadcast_in_dim3A_0 : vector<16xf32> to vector<1x16xf32>
      tpu.vector_store %arg12[%swap3A, %swap3A_29], %swap3A_32 {strides = array<i32>} : memref<128x128xf32, #tpu.memory_space<vmem>>, vector<1x16xf32>,
      %swap3A_33 = arith.index_cast %scan3A_28 : i32 to index
      %swap3A_34 = arith.constant 16 : index
      %swap3A_35 = tpu.vector_load %arg12[%swap3A_33, %swap3A_34] {strides = array<i32>} : memref<128x128xf32, #tpu.memory_space<vmem>>, vector<1x16xf32>,
      %swap3A_36 = vector.shape_cast %swap3A_35 : vector<1x16xf32> to vector<16xf32>
      %swap3A_37 = vector.shape_cast %broadcast_in_dim3A_0 : vector<16xf32> to vector<1x16xf32>
      tpu.vector_store %arg12[%swap3A_33, %swap3A_34], %swap3A_37 {strides = array<i32>} : memref<128x128xf32, #tpu.memory_space<vmem>>, vector<1x16xf32>,
      %swap3A_38 = arith.index_cast %scan3A_28 : i32 to index
      %swap3A_39 = arith.constant 32 : index
      %swap3A_40 = tpu.vector_load %arg12[%swap3A_38, %swap3A_39] {strides = array<i32>} : memref<128x128xf32, #tpu.memory_space<vmem>>, vector<1x16xf32>,
      %swap3A_41 = vector.shape_cast %swap3A_40 : vector<1x16xf32> to vector<16xf32>
      %swap3A_42 = vector.shape_cast %broadcast_in_dim3A_0 : vector<16xf32> to vector<1x16xf32>
      tpu.vector_store %arg12[%swap3A_38, %swap3A_39], %swap3A_42 {strides = array<i32>} : memref<128x128xf32, #tpu.memory_space<vmem>>, vector<1x16xf32>,
      %swap3A_43 = arith.index_cast %scan3A_28 : i32 to index
      %swap3A_44 = arith.constant 48 : index
      %swap3A_45 = tpu.vector_load %arg12[%swap3A_43, %swap3A_44] {strides = array<i32>} : memref<128x128xf32, #tpu.memory_space<vmem>>, vector<1x16xf32>,
      %swap3A_46 = vector.shape_cast %swap3A_45 : vector<1x16xf32> to vector<16xf32>
      %swap3A_47 = vector.shape_cast %broadcast_in_dim3A_0 : vector<16xf32> to vector<1x16xf32>
      tpu.vector_store %arg12[%swap3A_43, %swap3A_44], %swap3A_47 {strides = array<i32>} : memref<128x128xf32, #tpu.memory_space<vmem>>, vector<1x16xf32>,
      %swap3A_48 = arith.index_cast %scan3A_28 : i32 to index
      %swap3A_49 = arith.constant 64 : index
      %swap3A_50 = tpu.vector_load %arg12[%swap3A_48, %swap3A_49] {strides = array<i32>} : memref<128x128xf32, #tpu.memory_space<vmem>>, vector<1x16xf32>,
      %swap3A_51 = vector.shape_cast %swap3A_50 : vector<1x16xf32> to vector<16xf32>
      %swap3A_52 = vector.shape_cast %broadcast_in_dim3A_0 : vector<16xf32> to vector<1x16xf32>
      tpu.vector_store %arg12[%swap3A_48, %swap3A_49], %swap3A_52 {strides = array<i32>} : memref<128x128xf32, #tpu.memory_space<vmem>>, vector<1x16xf32>,
      %swap3A_53 = arith.index_cast %scan3A_28 : i32 to index
      %swap3A_54 = arith.constant 80 : index
      %swap3A_55 = tpu.vector_load %arg12[%swap3A_53, %swap3A_54] {strides = array<i32>} : memref<128x128xf32, #tpu.memory_space<vmem>>, vector<1x16xf32>,
      %swap3A_56 = vector.shape_cast %swap3A_55 : vector<1x16xf32> to vector<16xf32>
      %swap3A_57 = vector.shape_cast %broadcast_in_dim3A_0 : vector<16xf32> to vector<1x16xf32>
      tpu.vector_store %arg12[%swap3A_53, %swap3A_54], %swap3A_57 {strides = array<i32>} : memref<128x128xf32, #tpu.memory_space<vmem>>, vector<1x16xf32>,
      %swap3A_58 = arith.index_cast %scan3A_28 : i32 to index
      %swap3A_59 = arith.constant 96 : index
      %swap3A_60 = tpu.vector_load %arg12[%swap3A_58, %swap3A_59] {strides = array<i32>} : memref<128x128xf32, #tpu.memory_space<vmem>>, vector<1x16xf32>,
      %swap3A_61 = vector.shape_cast %swap3A_60 : vector<1x16xf32> to vector<16xf32>
      %swap3A_62 = vector.shape_cast %broadcast_in_dim3A_0 : vector<16xf32> to vector<1x16xf32>
      tpu.vector_store %arg12[%swap3A_58, %swap3A_59], %swap3A_62 {strides = array<i32>} : memref<128x128xf32, #tpu.memory_space<vmem>>, vector<1x16xf32>,
      %swap3A_63 = arith.index_cast %scan3A_28 : i32 to index
      %swap3A_64 = arith.constant 112 : index
      %swap3A_65 = tpu.vector_load %arg12[%swap3A_63, %swap3A_64] {strides = array<i32>} : memref<128x128xf32, #tpu.memory_space<vmem>>, vector<1x16xf32>,
      %swap3A_66 = vector.shape_cast %swap3A_65 : vector<1x16xf32> to vector<16xf32>
      %swap3A_67 = vector.shape_cast %broadcast_in_dim3A_0 : vector<16xf32> to vector<1x16xf32>
      tpu.vector_store %arg12[%swap3A_63, %swap3A_64], %swap3A_67 {strides = array<i32>} : memref<128x128xf32, #tpu.memory_space<vmem>>, vector<1x16xf32>,
    }
    %scan3A_5 = arith.constant 128 : i32
    %scan3A_6 = arith.constant 0 : i32
    %scan3A_7 = arith.constant 0 : i32
    %scan3A_8 = arith.constant 5 : i32
    %scan3A_9 = arith.addi %scan3A_7, %scan3A_8 : i32
    %scan3A_10 = arith.constant 1 : i32
    scf.for %scan3A_28 = %scan3A_7 to %scan3A_9 step %scan3A_10  : i32 {
      %mul3A_29 = arith.constant 640 : i32
      %mul3A_30 = arith.muli %arg1, %mul3A_29 : i32
      %mul3A_31 = arith.constant 128 : i32
      %mul3A_32 = arith.muli %scan3A_28, %mul3A_31 : i32
      %add3A_33 = arith.addi %mul3A_30, %mul3A_32 : i32
      "tpu.region"() ({
        %run_scoped3A = tpu.sem_alloc : memref<!tpu.dma_semaphore, #tpu.memory_space<semaphore_mem>>
        %dma_start3A = arith.constant 0 : i32
        %dma_start3A_34 = tpu.memref_slice %arg6[%add3A_33, %dma_start3A] : memref<10240x128xf32, #tpu.memory_space<vmem_shared>> -> memref<128x128xf32, #tpu.memory_space<vmem_shared>>
        %dma_start3A_35 = arith.constant 0 : i32
        %dma_start3A_36 = tpu.memref_slice %arg6[%add3A_33, %dma_start3A_35] : memref<10240x128xf32, #tpu.memory_space<vmem_shared>> -> memref<128x128xf32, #tpu.memory_space<vmem_shared>>
        tpu.enqueue_dma source(%arg12 : memref<128x128xf32, #tpu.memory_space<vmem>>) target(%dma_start3A_36 : memref<128x128xf32, #tpu.memory_space<vmem_shared>>) target_semaphore(%run_scoped3A : memref<!tpu.dma_semaphore, #tpu.memory_space<semaphore_mem>>)
        %dma_wait3A = arith.constant 0 : i32
        %dma_wait3A_37 = tpu.memref_slice %arg6[%add3A_33, %dma_wait3A] : memref<10240x128xf32, #tpu.memory_space<vmem_shared>> -> memref<128x128xf32, #tpu.memory_space<vmem_shared>>
        %dma_wait3A_38 = arith.constant 0 : i32
        %dma_wait3A_39 = tpu.memref_slice %arg6[%add3A_33, %dma_wait3A_38] : memref<10240x128xf32, #tpu.memory_space<vmem_shared>> -> memref<128x128xf32, #tpu.memory_space<vmem_shared>>
        tpu.wait_dma2 semaphore(%run_scoped3A : memref<!tpu.dma_semaphore, #tpu.memory_space<semaphore_mem>>) src(%arg12 : memref<128x128xf32, #tpu.memory_space<vmem>>) dst(%dma_wait3A_39 : memref<128x128xf32, #tpu.memory_space<vmem_shared>>)
        tpu.yield
      }) : () -> ()
    }
    %scan3A_11 = arith.constant 5 : i32
    %barrier3A = arith.constant 0 : index
    tpu.barrier barrier_id(%barrier3A)
    %mul3A = arith.constant 160 : i32
    %mul3A_12 = arith.muli %arg1, %mul3A : i32
    %mul3A_13 = arith.constant 5000 : i32
    %mul3A_14 = arith.muli %arg0, %mul3A_13 : i32
    %scan3A_15 = arith.constant 0 : i32
    %scan3A_16 = arith.constant 0 : i32
    %scan3A_17 = arith.constant 80 : i32
    %scan3A_18 = arith.addi %scan3A_16, %scan3A_17 : i32
    %scan3A_19 = arith.constant 1 : i32
    scf.for %scan3A_28 = %scan3A_16 to %scan3A_18 step %scan3A_19  : i32 {
      %mul3A_29 = arith.constant 2 : i32
      %mul3A_30 = arith.muli %mul3A_29, %scan3A_28 : i32
      %add3A_31 = arith.addi %mul3A_12, %mul3A_30 : i32
      %mul3A_32 = arith.constant 128 : i32
      %mul3A_33 = arith.muli %add3A_31, %mul3A_32 : i32
      "tpu.region"() ({
        %run_scoped3A = tpu.sem_alloc : memref<!tpu.dma_semaphore, #tpu.memory_space<semaphore_mem>>
        %dma_start3A_361 = tpu.memref_slice %arg3[%mul3A_33] : memref<327680xi32, #tpu.memory_space<hbm>> -> memref<128xi32, #tpu.memory_space<hbm>>
        %dma_start3A_362 = tpu.memref_slice %arg3[%mul3A_33] : memref<327680xi32, #tpu.memory_space<hbm>> -> memref<128xi32, #tpu.memory_space<hbm>>
        tpu.enqueue_dma source(%dma_start3A_362 : memref<128xi32, #tpu.memory_space<hbm>>) target(%arg7 : memref<128xi32, #tpu.memory_space<vmem>>) target_semaphore(%run_scoped3A : memref<!tpu.dma_semaphore, #tpu.memory_space<semaphore_mem>>)
        %dma_wait3A_363 = tpu.memref_slice %arg3[%mul3A_33] : memref<327680xi32, #tpu.memory_space<hbm>> -> memref<128xi32, #tpu.memory_space<hbm>>
        %dma_wait3A_364 = tpu.memref_slice %arg3[%mul3A_33] : memref<327680xi32, #tpu.memory_space<hbm>> -> memref<128xi32, #tpu.memory_space<hbm>>
        tpu.wait_dma2 semaphore(%run_scoped3A : memref<!tpu.dma_semaphore, #tpu.memory_space<semaphore_mem>>) src(%dma_wait3A_364 : memref<128xi32, #tpu.memory_space<hbm>>) dst(%arg7 : memref<128xi32, #tpu.memory_space<vmem>>)
        tpu.yield
      }) : () -> ()
      "tpu.region"() ({
        %run_scoped3A = tpu.sem_alloc : memref<!tpu.dma_semaphore, #tpu.memory_space<semaphore_mem>>
        %dma_start3A_361 = tpu.memref_slice %arg4[%mul3A_33] : memref<327680xi32, #tpu.memory_space<hbm>> -> memref<128xi32, #tpu.memory_space<hbm>>
        %dma_start3A_362 = tpu.memref_slice %arg4[%mul3A_33] : memref<327680xi32, #tpu.memory_space<hbm>> -> memref<128xi32, #tpu.memory_space<hbm>>
        tpu.enqueue_dma source(%dma_start3A_362 : memref<128xi32, #tpu.memory_space<hbm>>) target(%arg9 : memref<128xi32, #tpu.memory_space<vmem>>) target_semaphore(%run_scoped3A : memref<!tpu.dma_semaphore, #tpu.memory_space<semaphore_mem>>)
        %dma_wait3A_363 = tpu.memref_slice %arg4[%mul3A_33] : memref<327680xi32, #tpu.memory_space<hbm>> -> memref<128xi32, #tpu.memory_space<hbm>>
        %dma_wait3A_364 = tpu.memref_slice %arg4[%mul3A_33] : memref<327680xi32, #tpu.memory_space<hbm>> -> memref<128xi32, #tpu.memory_space<hbm>>
        tpu.wait_dma2 semaphore(%run_scoped3A : memref<!tpu.dma_semaphore, #tpu.memory_space<semaphore_mem>>) src(%dma_wait3A_364 : memref<128xi32, #tpu.memory_space<hbm>>) dst(%arg9 : memref<128xi32, #tpu.memory_space<vmem>>)
        tpu.yield
      }) : () -> ()
      %get3A = arith.constant 0 : index
      %get3A_34 = tpu.vector_load %arg7[%get3A] {strides = array<i32>} : memref<128xi32, #tpu.memory_space<vmem>>, vector<16xi32>,
      %get3A_35 = vector.shape_cast %get3A_34 : vector<16xi32> to vector<16xi32>
      %get3A_36 = arith.constant 0 : index
      %get3A_37 = tpu.vector_load %arg9[%get3A_36] {strides = array<i32>} : memref<128xi32, #tpu.memory_space<vmem>>, vector<16xi32>,
      %get3A_38 = vector.shape_cast %get3A_37 : vector<16xi32> to vector<16xi32>
      %ge3A = vector.broadcast %mul3A_14 : i32 to vector<16xi32>
      %ge3A_39 = arith.cmpi sge, %get3A_35, %ge3A : vector<16xi32>
      %add3A_40 = arith.constant 5000 : i32
      %add3A_41 = arith.addi %mul3A_14, %add3A_40 : i32
      %lt3A = vector.broadcast %add3A_41 : i32 to vector<16xi32>
      %lt3A_42 = arith.cmpi slt, %get3A_35, %lt3A : vector<16xi32>
      %and3A = arith.andi %ge3A_39, %lt3A_42 : vector<16xi1>
      %jit3A = arith.constant 10200 : i32
      %broadcast_in_dim3A_43 = vector.broadcast %jit3A : i32 to vector<16xi32>
      %select_n3A = arith.select %and3A, %get3A_38, %broadcast_in_dim3A_43 : vector<16xi1>, vector<16xi32>
      %swap3A = arith.constant 0 : index
      %swap3A_44 = tpu.vector_load %arg10[%swap3A] {strides = array<i32>} : memref<128xi32, #tpu.memory_space<vmem>>, vector<16xi32>,
      %swap3A_45 = vector.shape_cast %swap3A_44 : vector<16xi32> to vector<16xi32>
      %swap3A_46 = vector.shape_cast %select_n3A : vector<16xi32> to vector<16xi32>
      tpu.vector_store %arg10[%swap3A], %swap3A_46 {strides = array<i32>} : memref<128xi32, #tpu.memory_space<vmem>>, vector<16xi32>,
      %get3A_47 = arith.constant 16 : index
      %get3A_48 = tpu.vector_load %arg7[%get3A_47] {strides = array<i32>} : memref<128xi32, #tpu.memory_space<vmem>>, vector<16xi32>,
      %get3A_49 = vector.shape_cast %get3A_48 : vector<16xi32> to vector<16xi32>
      %get3A_50 = arith.constant 16 : index
      %get3A_51 = tpu.vector_load %arg9[%get3A_50] {strides = array<i32>} : memref<128xi32, #tpu.memory_space<vmem>>, vector<16xi32>,
      %get3A_52 = vector.shape_cast %get3A_51 : vector<16xi32> to vector<16xi32>
      %ge3A_53 = vector.broadcast %mul3A_14 : i32 to vector<16xi32>
      %ge3A_54 = arith.cmpi sge, %get3A_49, %ge3A_53 : vector<16xi32>
      %add3A_55 = arith.constant 5000 : i32
      %add3A_56 = arith.addi %mul3A_14, %add3A_55 : i32
      %lt3A_57 = vector.broadcast %add3A_56 : i32 to vector<16xi32>
      %lt3A_58 = arith.cmpi slt, %get3A_49, %lt3A_57 : vector<16xi32>
      %and3A_59 = arith.andi %ge3A_54, %lt3A_58 : vector<16xi1>
      %jit3A_60 = arith.constant 10200 : i32
      %broadcast_in_dim3A_61 = vector.broadcast %jit3A_60 : i32 to vector<16xi32>
      %select_n3A_62 = arith.select %and3A_59, %get3A_52, %broadcast_in_dim3A_61 : vector<16xi1>, vector<16xi32>
      %swap3A_63 = arith.constant 16 : index
      %swap3A_64 = tpu.vector_load %arg10[%swap3A_63] {strides = array<i32>} : memref<128xi32, #tpu.memory_space<vmem>>, vector<16xi32>,
      %swap3A_65 = vector.shape_cast %swap3A_64 : vector<16xi32> to vector<16xi32>
      %swap3A_66 = vector.shape_cast %select_n3A_62 : vector<16xi32> to vector<16xi32>
      tpu.vector_store %arg10[%swap3A_63], %swap3A_66 {strides = array<i32>} : memref<128xi32, #tpu.memory_space<vmem>>, vector<16xi32>,
      %get3A_67 = arith.constant 32 : index
      %get3A_68 = tpu.vector_load %arg7[%get3A_67] {strides = array<i32>} : memref<128xi32, #tpu.memory_space<vmem>>, vector<16xi32>,
      %get3A_69 = vector.shape_cast %get3A_68 : vector<16xi32> to vector<16xi32>
      %get3A_70 = arith.constant 32 : index
      %get3A_71 = tpu.vector_load %arg9[%get3A_70] {strides = array<i32>} : memref<128xi32, #tpu.memory_space<vmem>>, vector<16xi32>,
      %get3A_72 = vector.shape_cast %get3A_71 : vector<16xi32> to vector<16xi32>
      %ge3A_73 = vector.broadcast %mul3A_14 : i32 to vector<16xi32>
      %ge3A_74 = arith.cmpi sge, %get3A_69, %ge3A_73 : vector<16xi32>
      %add3A_75 = arith.constant 5000 : i32
      %add3A_76 = arith.addi %mul3A_14, %add3A_75 : i32
      %lt3A_77 = vector.broadcast %add3A_76 : i32 to vector<16xi32>
      %lt3A_78 = arith.cmpi slt, %get3A_69, %lt3A_77 : vector<16xi32>
      %and3A_79 = arith.andi %ge3A_74, %lt3A_78 : vector<16xi1>
      %jit3A_80 = arith.constant 10200 : i32
      %broadcast_in_dim3A_81 = vector.broadcast %jit3A_80 : i32 to vector<16xi32>
      %select_n3A_82 = arith.select %and3A_79, %get3A_72, %broadcast_in_dim3A_81 : vector<16xi1>, vector<16xi32>
      %swap3A_83 = arith.constant 32 : index
      %swap3A_84 = tpu.vector_load %arg10[%swap3A_83] {strides = array<i32>} : memref<128xi32, #tpu.memory_space<vmem>>, vector<16xi32>,
      %swap3A_85 = vector.shape_cast %swap3A_84 : vector<16xi32> to vector<16xi32>
      %swap3A_86 = vector.shape_cast %select_n3A_82 : vector<16xi32> to vector<16xi32>
      tpu.vector_store %arg10[%swap3A_83], %swap3A_86 {strides = array<i32>} : memref<128xi32, #tpu.memory_space<vmem>>, vector<16xi32>,
      %get3A_87 = arith.constant 48 : index
      %get3A_88 = tpu.vector_load %arg7[%get3A_87] {strides = array<i32>} : memref<128xi32, #tpu.memory_space<vmem>>, vector<16xi32>,
      %get3A_89 = vector.shape_cast %get3A_88 : vector<16xi32> to vector<16xi32>
      %get3A_90 = arith.constant 48 : index
      %get3A_91 = tpu.vector_load %arg9[%get3A_90] {strides = array<i32>} : memref<128xi32, #tpu.memory_space<vmem>>, vector<16xi32>,
      %get3A_92 = vector.shape_cast %get3A_91 : vector<16xi32> to vector<16xi32>
      %ge3A_93 = vector.broadcast %mul3A_14 : i32 to vector<16xi32>
      %ge3A_94 = arith.cmpi sge, %get3A_89, %ge3A_93 : vector<16xi32>
      %add3A_95 = arith.constant 5000 : i32
      %add3A_96 = arith.addi %mul3A_14, %add3A_95 : i32
      %lt3A_97 = vector.broadcast %add3A_96 : i32 to vector<16xi32>
      %lt3A_98 = arith.cmpi slt, %get3A_89, %lt3A_97 : vector<16xi32>
      %and3A_99 = arith.andi %ge3A_94, %lt3A_98 : vector<16xi1>
      %jit3A_100 = arith.constant 10200 : i32
      %broadcast_in_dim3A_101 = vector.broadcast %jit3A_100 : i32 to vector<16xi32>
      %select_n3A_102 = arith.select %and3A_99, %get3A_92, %broadcast_in_dim3A_101 : vector<16xi1>, vector<16xi32>
      %swap3A_103 = arith.constant 48 : index
      %swap3A_104 = tpu.vector_load %arg10[%swap3A_103] {strides = array<i32>} : memref<128xi32, #tpu.memory_space<vmem>>, vector<16xi32>,
      %swap3A_105 = vector.shape_cast %swap3A_104 : vector<16xi32> to vector<16xi32>
      %swap3A_106 = vector.shape_cast %select_n3A_102 : vector<16xi32> to vector<16xi32>
      tpu.vector_store %arg10[%swap3A_103], %swap3A_106 {strides = array<i32>} : memref<128xi32, #tpu.memory_space<vmem>>, vector<16xi32>,
      %get3A_107 = arith.constant 64 : index
      %get3A_108 = tpu.vector_load %arg7[%get3A_107] {strides = array<i32>} : memref<128xi32, #tpu.memory_space<vmem>>, vector<16xi32>,
      %get3A_109 = vector.shape_cast %get3A_108 : vector<16xi32> to vector<16xi32>
      %get3A_110 = arith.constant 64 : index
      %get3A_111 = tpu.vector_load %arg9[%get3A_110] {strides = array<i32>} : memref<128xi32, #tpu.memory_space<vmem>>, vector<16xi32>,
      %get3A_112 = vector.shape_cast %get3A_111 : vector<16xi32> to vector<16xi32>
      %ge3A_113 = vector.broadcast %mul3A_14 : i32 to vector<16xi32>
      %ge3A_114 = arith.cmpi sge, %get3A_109, %ge3A_113 : vector<16xi32>
      %add3A_115 = arith.constant 5000 : i32
      %add3A_116 = arith.addi %mul3A_14, %add3A_115 : i32
      %lt3A_117 = vector.broadcast %add3A_116 : i32 to vector<16xi32>
      %lt3A_118 = arith.cmpi slt, %get3A_109, %lt3A_117 : vector<16xi32>
      %and3A_119 = arith.andi %ge3A_114, %lt3A_118 : vector<16xi1>
      %jit3A_120 = arith.constant 10200 : i32
      %broadcast_in_dim3A_121 = vector.broadcast %jit3A_120 : i32 to vector<16xi32>
      %select_n3A_122 = arith.select %and3A_119, %get3A_112, %broadcast_in_dim3A_121 : vector<16xi1>, vector<16xi32>
      %swap3A_123 = arith.constant 64 : index
      %swap3A_124 = tpu.vector_load %arg10[%swap3A_123] {strides = array<i32>} : memref<128xi32, #tpu.memory_space<vmem>>, vector<16xi32>,
      %swap3A_125 = vector.shape_cast %swap3A_124 : vector<16xi32> to vector<16xi32>
      %swap3A_126 = vector.shape_cast %select_n3A_122 : vector<16xi32> to vector<16xi32>
      tpu.vector_store %arg10[%swap3A_123], %swap3A_126 {strides = array<i32>} : memref<128xi32, #tpu.memory_space<vmem>>, vector<16xi32>,
      %get3A_127 = arith.constant 80 : index
      %get3A_128 = tpu.vector_load %arg7[%get3A_127] {strides = array<i32>} : memref<128xi32, #tpu.memory_space<vmem>>, vector<16xi32>,
      %get3A_129 = vector.shape_cast %get3A_128 : vector<16xi32> to vector<16xi32>
      %get3A_130 = arith.constant 80 : index
      %get3A_131 = tpu.vector_load %arg9[%get3A_130] {strides = array<i32>} : memref<128xi32, #tpu.memory_space<vmem>>, vector<16xi32>,
      %get3A_132 = vector.shape_cast %get3A_131 : vector<16xi32> to vector<16xi32>
      %ge3A_133 = vector.broadcast %mul3A_14 : i32 to vector<16xi32>
      %ge3A_134 = arith.cmpi sge, %get3A_129, %ge3A_133 : vector<16xi32>
      %add3A_135 = arith.constant 5000 : i32
      %add3A_136 = arith.addi %mul3A_14, %add3A_135 : i32
      %lt3A_137 = vector.broadcast %add3A_136 : i32 to vector<16xi32>
      %lt3A_138 = arith.cmpi slt, %get3A_129, %lt3A_137 : vector<16xi32>
      %and3A_139 = arith.andi %ge3A_134, %lt3A_138 : vector<16xi1>
      %jit3A_140 = arith.constant 10200 : i32
      %broadcast_in_dim3A_141 = vector.broadcast %jit3A_140 : i32 to vector<16xi32>
      %select_n3A_142 = arith.select %and3A_139, %get3A_132, %broadcast_in_dim3A_141 : vector<16xi1>, vector<16xi32>
      %swap3A_143 = arith.constant 80 : index
      %swap3A_144 = tpu.vector_load %arg10[%swap3A_143] {strides = array<i32>} : memref<128xi32, #tpu.memory_space<vmem>>, vector<16xi32>,
      %swap3A_145 = vector.shape_cast %swap3A_144 : vector<16xi32> to vector<16xi32>
      %swap3A_146 = vector.shape_cast %select_n3A_142 : vector<16xi32> to vector<16xi32>
      tpu.vector_store %arg10[%swap3A_143], %swap3A_146 {strides = array<i32>} : memref<128xi32, #tpu.memory_space<vmem>>, vector<16xi32>,
      %get3A_147 = arith.constant 96 : index
      %get3A_148 = tpu.vector_load %arg7[%get3A_147] {strides = array<i32>} : memref<128xi32, #tpu.memory_space<vmem>>, vector<16xi32>,
      %get3A_149 = vector.shape_cast %get3A_148 : vector<16xi32> to vector<16xi32>
      %get3A_150 = arith.constant 96 : index
      %get3A_151 = tpu.vector_load %arg9[%get3A_150] {strides = array<i32>} : memref<128xi32, #tpu.memory_space<vmem>>, vector<16xi32>,
      %get3A_152 = vector.shape_cast %get3A_151 : vector<16xi32> to vector<16xi32>
      %ge3A_153 = vector.broadcast %mul3A_14 : i32 to vector<16xi32>
      %ge3A_154 = arith.cmpi sge, %get3A_149, %ge3A_153 : vector<16xi32>
      %add3A_155 = arith.constant 5000 : i32
      %add3A_156 = arith.addi %mul3A_14, %add3A_155 : i32
      %lt3A_157 = vector.broadcast %add3A_156 : i32 to vector<16xi32>
      %lt3A_158 = arith.cmpi slt, %get3A_149, %lt3A_157 : vector<16xi32>
      %and3A_159 = arith.andi %ge3A_154, %lt3A_158 : vector<16xi1>
      %jit3A_160 = arith.constant 10200 : i32
      %broadcast_in_dim3A_161 = vector.broadcast %jit3A_160 : i32 to vector<16xi32>
      %select_n3A_162 = arith.select %and3A_159, %get3A_152, %broadcast_in_dim3A_161 : vector<16xi1>, vector<16xi32>
      %swap3A_163 = arith.constant 96 : index
      %swap3A_164 = tpu.vector_load %arg10[%swap3A_163] {strides = array<i32>} : memref<128xi32, #tpu.memory_space<vmem>>, vector<16xi32>,
      %swap3A_165 = vector.shape_cast %swap3A_164 : vector<16xi32> to vector<16xi32>
      %swap3A_166 = vector.shape_cast %select_n3A_162 : vector<16xi32> to vector<16xi32>
      tpu.vector_store %arg10[%swap3A_163], %swap3A_166 {strides = array<i32>} : memref<128xi32, #tpu.memory_space<vmem>>, vector<16xi32>,
      %get3A_167 = arith.constant 112 : index
      %get3A_168 = tpu.vector_load %arg7[%get3A_167] {strides = array<i32>} : memref<128xi32, #tpu.memory_space<vmem>>, vector<16xi32>,
      %get3A_169 = vector.shape_cast %get3A_168 : vector<16xi32> to vector<16xi32>
      %get3A_170 = arith.constant 112 : index
      %get3A_171 = tpu.vector_load %arg9[%get3A_170] {strides = array<i32>} : memref<128xi32, #tpu.memory_space<vmem>>, vector<16xi32>,
      %get3A_172 = vector.shape_cast %get3A_171 : vector<16xi32> to vector<16xi32>
      %ge3A_173 = vector.broadcast %mul3A_14 : i32 to vector<16xi32>
      %ge3A_174 = arith.cmpi sge, %get3A_169, %ge3A_173 : vector<16xi32>
      %add3A_175 = arith.constant 5000 : i32
      %add3A_176 = arith.addi %mul3A_14, %add3A_175 : i32
      %lt3A_177 = vector.broadcast %add3A_176 : i32 to vector<16xi32>
      %lt3A_178 = arith.cmpi slt, %get3A_169, %lt3A_177 : vector<16xi32>
      %and3A_179 = arith.andi %ge3A_174, %lt3A_178 : vector<16xi1>
      %jit3A_180 = arith.constant 10200 : i32
      %broadcast_in_dim3A_181 = vector.broadcast %jit3A_180 : i32 to vector<16xi32>
      %select_n3A_182 = arith.select %and3A_179, %get3A_172, %broadcast_in_dim3A_181 : vector<16xi1>, vector<16xi32>
      %swap3A_183 = arith.constant 112 : index
      %swap3A_184 = tpu.vector_load %arg10[%swap3A_183] {strides = array<i32>} : memref<128xi32, #tpu.memory_space<vmem>>, vector<16xi32>,
      %swap3A_185 = vector.shape_cast %swap3A_184 : vector<16xi32> to vector<16xi32>
      %swap3A_186 = vector.shape_cast %select_n3A_182 : vector<16xi32> to vector<16xi32>
      tpu.vector_store %arg10[%swap3A_183], %swap3A_186 {strides = array<i32>} : memref<128xi32, #tpu.memory_space<vmem>>, vector<16xi32>,
      %dma_start3A = arith.constant 0 : i32
      %dma_start3A_187 = arith.constant 0 : i32
      %dma_start3A_188 = tpu.memref_slice %arg2[%dma_start3A, %dma_start3A_187] : memref<10000x128xf32, #tpu.memory_space<hbm>> -> memref<10000x128xf32, #tpu.memory_space<hbm>>
      tpu.enqueue_indirect_dma source(%dma_start3A_188 : memref<10000x128xf32, #tpu.memory_space<hbm>>) target(%arg12 : memref<128x128xf32, #tpu.memory_space<vmem>>) offsets(%arg7 : memref<128xi32, #tpu.memory_space<vmem>>) semaphore(%arg14 : memref<!tpu.dma_semaphore, #tpu.memory_space<semaphore_mem>>)
      %add3A_189 = arith.constant 1 : i32
      %add3A_190 = arith.addi %add3A_31, %add3A_189 : i32
      %mul3A_191 = arith.constant 128 : i32
      %mul3A_192 = arith.muli %add3A_190, %mul3A_191 : i32
      "tpu.region"() ({
        %run_scoped3A = tpu.sem_alloc : memref<!tpu.dma_semaphore, #tpu.memory_space<semaphore_mem>>
        %dma_start3A_361 = tpu.memref_slice %arg3[%mul3A_192] : memref<327680xi32, #tpu.memory_space<hbm>> -> memref<128xi32, #tpu.memory_space<hbm>>
        %dma_start3A_362 = tpu.memref_slice %arg3[%mul3A_192] : memref<327680xi32, #tpu.memory_space<hbm>> -> memref<128xi32, #tpu.memory_space<hbm>>
        tpu.enqueue_dma source(%dma_start3A_362 : memref<128xi32, #tpu.memory_space<hbm>>) target(%arg8 : memref<128xi32, #tpu.memory_space<vmem>>) target_semaphore(%run_scoped3A : memref<!tpu.dma_semaphore, #tpu.memory_space<semaphore_mem>>)
        %dma_wait3A_363 = tpu.memref_slice %arg3[%mul3A_192] : memref<327680xi32, #tpu.memory_space<hbm>> -> memref<128xi32, #tpu.memory_space<hbm>>
        %dma_wait3A_364 = tpu.memref_slice %arg3[%mul3A_192] : memref<327680xi32, #tpu.memory_space<hbm>> -> memref<128xi32, #tpu.memory_space<hbm>>
        tpu.wait_dma2 semaphore(%run_scoped3A : memref<!tpu.dma_semaphore, #tpu.memory_space<semaphore_mem>>) src(%dma_wait3A_364 : memref<128xi32, #tpu.memory_space<hbm>>) dst(%arg8 : memref<128xi32, #tpu.memory_space<vmem>>)
        tpu.yield
      }) : () -> ()
      "tpu.region"() ({
        %run_scoped3A = tpu.sem_alloc : memref<!tpu.dma_semaphore, #tpu.memory_space<semaphore_mem>>
        %dma_start3A_361 = tpu.memref_slice %arg4[%mul3A_192] : memref<327680xi32, #tpu.memory_space<hbm>> -> memref<128xi32, #tpu.memory_space<hbm>>
        %dma_start3A_362 = tpu.memref_slice %arg4[%mul3A_192] : memref<327680xi32, #tpu.memory_space<hbm>> -> memref<128xi32, #tpu.memory_space<hbm>>
        tpu.enqueue_dma source(%dma_start3A_362 : memref<128xi32, #tpu.memory_space<hbm>>) target(%arg9 : memref<128xi32, #tpu.memory_space<vmem>>) target_semaphore(%run_scoped3A : memref<!tpu.dma_semaphore, #tpu.memory_space<semaphore_mem>>)
        %dma_wait3A_363 = tpu.memref_slice %arg4[%mul3A_192] : memref<327680xi32, #tpu.memory_space<hbm>> -> memref<128xi32, #tpu.memory_space<hbm>>
        %dma_wait3A_364 = tpu.memref_slice %arg4[%mul3A_192] : memref<327680xi32, #tpu.memory_space<hbm>> -> memref<128xi32, #tpu.memory_space<hbm>>
        tpu.wait_dma2 semaphore(%run_scoped3A : memref<!tpu.dma_semaphore, #tpu.memory_space<semaphore_mem>>) src(%dma_wait3A_364 : memref<128xi32, #tpu.memory_space<hbm>>) dst(%arg9 : memref<128xi32, #tpu.memory_space<vmem>>)
        tpu.yield
      }) : () -> ()
      %get3A_193 = arith.constant 0 : index
      %get3A_194 = tpu.vector_load %arg8[%get3A_193] {strides = array<i32>} : memref<128xi32, #tpu.memory_space<vmem>>, vector<16xi32>,
      %get3A_195 = vector.shape_cast %get3A_194 : vector<16xi32> to vector<16xi32>
      %get3A_196 = arith.constant 0 : index
      %get3A_197 = tpu.vector_load %arg9[%get3A_196] {strides = array<i32>} : memref<128xi32, #tpu.memory_space<vmem>>, vector<16xi32>,
      %get3A_198 = vector.shape_cast %get3A_197 : vector<16xi32> to vector<16xi32>
      %ge3A_199 = vector.broadcast %mul3A_14 : i32 to vector<16xi32>
      %ge3A_200 = arith.cmpi sge, %get3A_195, %ge3A_199 : vector<16xi32>
      %add3A_201 = arith.constant 5000 : i32
      %add3A_202 = arith.addi %mul3A_14, %add3A_201 : i32
      %lt3A_203 = vector.broadcast %add3A_202 : i32 to vector<16xi32>
      %lt3A_204 = arith.cmpi slt, %get3A_195, %lt3A_203 : vector<16xi32>
      %and3A_205 = arith.andi %ge3A_200, %lt3A_204 : vector<16xi1>
      %jit3A_206 = arith.constant 10200 : i32
      %broadcast_in_dim3A_207 = vector.broadcast %jit3A_206 : i32 to vector<16xi32>
      %select_n3A_208 = arith.select %and3A_205, %get3A_198, %broadcast_in_dim3A_207 : vector<16xi1>, vector<16xi32>
      %swap3A_209 = arith.constant 0 : index
      %swap3A_210 = tpu.vector_load %arg11[%swap3A_209] {strides = array<i32>} : memref<128xi32, #tpu.memory_space<vmem>>, vector<16xi32>,
      %swap3A_211 = vector.shape_cast %swap3A_210 : vector<16xi32> to vector<16xi32>
      %swap3A_212 = vector.shape_cast %select_n3A_208 : vector<16xi32> to vector<16xi32>
      tpu.vector_store %arg11[%swap3A_209], %swap3A_212 {strides = array<i32>} : memref<128xi32, #tpu.memory_space<vmem>>, vector<16xi32>,
      %get3A_213 = arith.constant 16 : index
      %get3A_214 = tpu.vector_load %arg8[%get3A_213] {strides = array<i32>} : memref<128xi32, #tpu.memory_space<vmem>>, vector<16xi32>,
      %get3A_215 = vector.shape_cast %get3A_214 : vector<16xi32> to vector<16xi32>
      %get3A_216 = arith.constant 16 : index
      %get3A_217 = tpu.vector_load %arg9[%get3A_216] {strides = array<i32>} : memref<128xi32, #tpu.memory_space<vmem>>, vector<16xi32>,
      %get3A_218 = vector.shape_cast %get3A_217 : vector<16xi32> to vector<16xi32>
      %ge3A_219 = vector.broadcast %mul3A_14 : i32 to vector<16xi32>
      %ge3A_220 = arith.cmpi sge, %get3A_215, %ge3A_219 : vector<16xi32>
      %add3A_221 = arith.constant 5000 : i32
      %add3A_222 = arith.addi %mul3A_14, %add3A_221 : i32
      %lt3A_223 = vector.broadcast %add3A_222 : i32 to vector<16xi32>
      %lt3A_224 = arith.cmpi slt, %get3A_215, %lt3A_223 : vector<16xi32>
      %and3A_225 = arith.andi %ge3A_220, %lt3A_224 : vector<16xi1>
      %jit3A_226 = arith.constant 10200 : i32
      %broadcast_in_dim3A_227 = vector.broadcast %jit3A_226 : i32 to vector<16xi32>
      %select_n3A_228 = arith.select %and3A_225, %get3A_218, %broadcast_in_dim3A_227 : vector<16xi1>, vector<16xi32>
      %swap3A_229 = arith.constant 16 : index
      %swap3A_230 = tpu.vector_load %arg11[%swap3A_229] {strides = array<i32>} : memref<128xi32, #tpu.memory_space<vmem>>, vector<16xi32>,
      %swap3A_231 = vector.shape_cast %swap3A_230 : vector<16xi32> to vector<16xi32>
      %swap3A_232 = vector.shape_cast %select_n3A_228 : vector<16xi32> to vector<16xi32>
      tpu.vector_store %arg11[%swap3A_229], %swap3A_232 {strides = array<i32>} : memref<128xi32, #tpu.memory_space<vmem>>, vector<16xi32>,
      %get3A_233 = arith.constant 32 : index
      %get3A_234 = tpu.vector_load %arg8[%get3A_233] {strides = array<i32>} : memref<128xi32, #tpu.memory_space<vmem>>, vector<16xi32>,
      %get3A_235 = vector.shape_cast %get3A_234 : vector<16xi32> to vector<16xi32>
      %get3A_236 = arith.constant 32 : index
      %get3A_237 = tpu.vector_load %arg9[%get3A_236] {strides = array<i32>} : memref<128xi32, #tpu.memory_space<vmem>>, vector<16xi32>,
      %get3A_238 = vector.shape_cast %get3A_237 : vector<16xi32> to vector<16xi32>
      %ge3A_239 = vector.broadcast %mul3A_14 : i32 to vector<16xi32>
      %ge3A_240 = arith.cmpi sge, %get3A_235, %ge3A_239 : vector<16xi32>
      %add3A_241 = arith.constant 5000 : i32
      %add3A_242 = arith.addi %mul3A_14, %add3A_241 : i32
      %lt3A_243 = vector.broadcast %add3A_242 : i32 to vector<16xi32>
      %lt3A_244 = arith.cmpi slt, %get3A_235, %lt3A_243 : vector<16xi32>
      %and3A_245 = arith.andi %ge3A_240, %lt3A_244 : vector<16xi1>
      %jit3A_246 = arith.constant 10200 : i32
      %broadcast_in_dim3A_247 = vector.broadcast %jit3A_246 : i32 to vector<16xi32>
      %select_n3A_248 = arith.select %and3A_245, %get3A_238, %broadcast_in_dim3A_247 : vector<16xi1>, vector<16xi32>
      %swap3A_249 = arith.constant 32 : index
      %swap3A_250 = tpu.vector_load %arg11[%swap3A_249] {strides = array<i32>} : memref<128xi32, #tpu.memory_space<vmem>>, vector<16xi32>,
      %swap3A_251 = vector.shape_cast %swap3A_250 : vector<16xi32> to vector<16xi32>
      %swap3A_252 = vector.shape_cast %select_n3A_248 : vector<16xi32> to vector<16xi32>
      tpu.vector_store %arg11[%swap3A_249], %swap3A_252 {strides = array<i32>} : memref<128xi32, #tpu.memory_space<vmem>>, vector<16xi32>,
      %get3A_253 = arith.constant 48 : index
      %get3A_254 = tpu.vector_load %arg8[%get3A_253] {strides = array<i32>} : memref<128xi32, #tpu.memory_space<vmem>>, vector<16xi32>,
      %get3A_255 = vector.shape_cast %get3A_254 : vector<16xi32> to vector<16xi32>
      %get3A_256 = arith.constant 48 : index
      %get3A_257 = tpu.vector_load %arg9[%get3A_256] {strides = array<i32>} : memref<128xi32, #tpu.memory_space<vmem>>, vector<16xi32>,
      %get3A_258 = vector.shape_cast %get3A_257 : vector<16xi32> to vector<16xi32>
      %ge3A_259 = vector.broadcast %mul3A_14 : i32 to vector<16xi32>
      %ge3A_260 = arith.cmpi sge, %get3A_255, %ge3A_259 : vector<16xi32>
      %add3A_261 = arith.constant 5000 : i32
      %add3A_262 = arith.addi %mul3A_14, %add3A_261 : i32
      %lt3A_263 = vector.broadcast %add3A_262 : i32 to vector<16xi32>
      %lt3A_264 = arith.cmpi slt, %get3A_255, %lt3A_263 : vector<16xi32>
      %and3A_265 = arith.andi %ge3A_260, %lt3A_264 : vector<16xi1>
      %jit3A_266 = arith.constant 10200 : i32
      %broadcast_in_dim3A_267 = vector.broadcast %jit3A_266 : i32 to vector<16xi32>
      %select_n3A_268 = arith.select %and3A_265, %get3A_258, %broadcast_in_dim3A_267 : vector<16xi1>, vector<16xi32>
      %swap3A_269 = arith.constant 48 : index
      %swap3A_270 = tpu.vector_load %arg11[%swap3A_269] {strides = array<i32>} : memref<128xi32, #tpu.memory_space<vmem>>, vector<16xi32>,
      %swap3A_271 = vector.shape_cast %swap3A_270 : vector<16xi32> to vector<16xi32>
      %swap3A_272 = vector.shape_cast %select_n3A_268 : vector<16xi32> to vector<16xi32>
      tpu.vector_store %arg11[%swap3A_269], %swap3A_272 {strides = array<i32>} : memref<128xi32, #tpu.memory_space<vmem>>, vector<16xi32>,
      %get3A_273 = arith.constant 64 : index
      %get3A_274 = tpu.vector_load %arg8[%get3A_273] {strides = array<i32>} : memref<128xi32, #tpu.memory_space<vmem>>, vector<16xi32>,
      %get3A_275 = vector.shape_cast %get3A_274 : vector<16xi32> to vector<16xi32>
      %get3A_276 = arith.constant 64 : index
      %get3A_277 = tpu.vector_load %arg9[%get3A_276] {strides = array<i32>} : memref<128xi32, #tpu.memory_space<vmem>>, vector<16xi32>,
      %get3A_278 = vector.shape_cast %get3A_277 : vector<16xi32> to vector<16xi32>
      %ge3A_279 = vector.broadcast %mul3A_14 : i32 to vector<16xi32>
      %ge3A_280 = arith.cmpi sge, %get3A_275, %ge3A_279 : vector<16xi32>
      %add3A_281 = arith.constant 5000 : i32
      %add3A_282 = arith.addi %mul3A_14, %add3A_281 : i32
      %lt3A_283 = vector.broadcast %add3A_282 : i32 to vector<16xi32>
      %lt3A_284 = arith.cmpi slt, %get3A_275, %lt3A_283 : vector<16xi32>
      %and3A_285 = arith.andi %ge3A_280, %lt3A_284 : vector<16xi1>
      %jit3A_286 = arith.constant 10200 : i32
      %broadcast_in_dim3A_287 = vector.broadcast %jit3A_286 : i32 to vector<16xi32>
      %select_n3A_288 = arith.select %and3A_285, %get3A_278, %broadcast_in_dim3A_287 : vector<16xi1>, vector<16xi32>
      %swap3A_289 = arith.constant 64 : index
      %swap3A_290 = tpu.vector_load %arg11[%swap3A_289] {strides = array<i32>} : memref<128xi32, #tpu.memory_space<vmem>>, vector<16xi32>,
      %swap3A_291 = vector.shape_cast %swap3A_290 : vector<16xi32> to vector<16xi32>
      %swap3A_292 = vector.shape_cast %select_n3A_288 : vector<16xi32> to vector<16xi32>
      tpu.vector_store %arg11[%swap3A_289], %swap3A_292 {strides = array<i32>} : memref<128xi32, #tpu.memory_space<vmem>>, vector<16xi32>,
      %get3A_293 = arith.constant 80 : index
      %get3A_294 = tpu.vector_load %arg8[%get3A_293] {strides = array<i32>} : memref<128xi32, #tpu.memory_space<vmem>>, vector<16xi32>,
      %get3A_295 = vector.shape_cast %get3A_294 : vector<16xi32> to vector<16xi32>
      %get3A_296 = arith.constant 80 : index
      %get3A_297 = tpu.vector_load %arg9[%get3A_296] {strides = array<i32>} : memref<128xi32, #tpu.memory_space<vmem>>, vector<16xi32>,
      %get3A_298 = vector.shape_cast %get3A_297 : vector<16xi32> to vector<16xi32>
      %ge3A_299 = vector.broadcast %mul3A_14 : i32 to vector<16xi32>
      %ge3A_300 = arith.cmpi sge, %get3A_295, %ge3A_299 : vector<16xi32>
      %add3A_301 = arith.constant 5000 : i32
      %add3A_302 = arith.addi %mul3A_14, %add3A_301 : i32
      %lt3A_303 = vector.broadcast %add3A_302 : i32 to vector<16xi32>
      %lt3A_304 = arith.cmpi slt, %get3A_295, %lt3A_303 : vector<16xi32>
      %and3A_305 = arith.andi %ge3A_300, %lt3A_304 : vector<16xi1>
      %jit3A_306 = arith.constant 10200 : i32
      %broadcast_in_dim3A_307 = vector.broadcast %jit3A_306 : i32 to vector<16xi32>
      %select_n3A_308 = arith.select %and3A_305, %get3A_298, %broadcast_in_dim3A_307 : vector<16xi1>, vector<16xi32>
      %swap3A_309 = arith.constant 80 : index
      %swap3A_310 = tpu.vector_load %arg11[%swap3A_309] {strides = array<i32>} : memref<128xi32, #tpu.memory_space<vmem>>, vector<16xi32>,
      %swap3A_311 = vector.shape_cast %swap3A_310 : vector<16xi32> to vector<16xi32>
      %swap3A_312 = vector.shape_cast %select_n3A_308 : vector<16xi32> to vector<16xi32>
      tpu.vector_store %arg11[%swap3A_309], %swap3A_312 {strides = array<i32>} : memref<128xi32, #tpu.memory_space<vmem>>, vector<16xi32>,
      %get3A_313 = arith.constant 96 : index
      %get3A_314 = tpu.vector_load %arg8[%get3A_313] {strides = array<i32>} : memref<128xi32, #tpu.memory_space<vmem>>, vector<16xi32>,
      %get3A_315 = vector.shape_cast %get3A_314 : vector<16xi32> to vector<16xi32>
      %get3A_316 = arith.constant 96 : index
      %get3A_317 = tpu.vector_load %arg9[%get3A_316] {strides = array<i32>} : memref<128xi32, #tpu.memory_space<vmem>>, vector<16xi32>,
      %get3A_318 = vector.shape_cast %get3A_317 : vector<16xi32> to vector<16xi32>
      %ge3A_319 = vector.broadcast %mul3A_14 : i32 to vector<16xi32>
      %ge3A_320 = arith.cmpi sge, %get3A_315, %ge3A_319 : vector<16xi32>
      %add3A_321 = arith.constant 5000 : i32
      %add3A_322 = arith.addi %mul3A_14, %add3A_321 : i32
      %lt3A_323 = vector.broadcast %add3A_322 : i32 to vector<16xi32>
      %lt3A_324 = arith.cmpi slt, %get3A_315, %lt3A_323 : vector<16xi32>
      %and3A_325 = arith.andi %ge3A_320, %lt3A_324 : vector<16xi1>
      %jit3A_326 = arith.constant 10200 : i32
      %broadcast_in_dim3A_327 = vector.broadcast %jit3A_326 : i32 to vector<16xi32>
      %select_n3A_328 = arith.select %and3A_325, %get3A_318, %broadcast_in_dim3A_327 : vector<16xi1>, vector<16xi32>
      %swap3A_329 = arith.constant 96 : index
      %swap3A_330 = tpu.vector_load %arg11[%swap3A_329] {strides = array<i32>} : memref<128xi32, #tpu.memory_space<vmem>>, vector<16xi32>,
      %swap3A_331 = vector.shape_cast %swap3A_330 : vector<16xi32> to vector<16xi32>
      %swap3A_332 = vector.shape_cast %select_n3A_328 : vector<16xi32> to vector<16xi32>
      tpu.vector_store %arg11[%swap3A_329], %swap3A_332 {strides = array<i32>} : memref<128xi32, #tpu.memory_space<vmem>>, vector<16xi32>,
      %get3A_333 = arith.constant 112 : index
      %get3A_334 = tpu.vector_load %arg8[%get3A_333] {strides = array<i32>} : memref<128xi32, #tpu.memory_space<vmem>>, vector<16xi32>,
      %get3A_335 = vector.shape_cast %get3A_334 : vector<16xi32> to vector<16xi32>
      %get3A_336 = arith.constant 112 : index
      %get3A_337 = tpu.vector_load %arg9[%get3A_336] {strides = array<i32>} : memref<128xi32, #tpu.memory_space<vmem>>, vector<16xi32>,
      %get3A_338 = vector.shape_cast %get3A_337 : vector<16xi32> to vector<16xi32>
      %ge3A_339 = vector.broadcast %mul3A_14 : i32 to vector<16xi32>
      %ge3A_340 = arith.cmpi sge, %get3A_335, %ge3A_339 : vector<16xi32>
      %add3A_341 = arith.constant 5000 : i32
      %add3A_342 = arith.addi %mul3A_14, %add3A_341 : i32
      %lt3A_343 = vector.broadcast %add3A_342 : i32 to vector<16xi32>
      %lt3A_344 = arith.cmpi slt, %get3A_335, %lt3A_343 : vector<16xi32>
      %and3A_345 = arith.andi %ge3A_340, %lt3A_344 : vector<16xi1>
      %jit3A_346 = arith.constant 10200 : i32
      %broadcast_in_dim3A_347 = vector.broadcast %jit3A_346 : i32 to vector<16xi32>
      %select_n3A_348 = arith.select %and3A_345, %get3A_338, %broadcast_in_dim3A_347 : vector<16xi1>, vector<16xi32>
      %swap3A_349 = arith.constant 112 : index
      %swap3A_350 = tpu.vector_load %arg11[%swap3A_349] {strides = array<i32>} : memref<128xi32, #tpu.memory_space<vmem>>, vector<16xi32>,
      %swap3A_351 = vector.shape_cast %swap3A_350 : vector<16xi32> to vector<16xi32>
      %swap3A_352 = vector.shape_cast %select_n3A_348 : vector<16xi32> to vector<16xi32>
      tpu.vector_store %arg11[%swap3A_349], %swap3A_352 {strides = array<i32>} : memref<128xi32, #tpu.memory_space<vmem>>, vector<16xi32>,
      %dma_start3A_353 = arith.constant 0 : i32
      %dma_start3A_354 = arith.constant 0 : i32
      %dma_start3A_355 = tpu.memref_slice %arg2[%dma_start3A_353, %dma_start3A_354] : memref<10000x128xf32, #tpu.memory_space<hbm>> -> memref<10000x128xf32, #tpu.memory_space<hbm>>
      tpu.enqueue_indirect_dma source(%dma_start3A_355 : memref<10000x128xf32, #tpu.memory_space<hbm>>) target(%arg13 : memref<128x128xf32, #tpu.memory_space<vmem>>) offsets(%arg8 : memref<128xi32, #tpu.memory_space<vmem>>) semaphore(%arg15 : memref<!tpu.dma_semaphore, #tpu.memory_space<semaphore_mem>>)
      %dma_wait3A = arith.constant 0 : i32
      %dma_wait3A_356 = arith.constant 0 : i32
      %dma_wait3A_357 = tpu.memref_slice %arg2[%dma_wait3A, %dma_wait3A_356] : memref<10000x128xf32, #tpu.memory_space<hbm>> -> memref<10000x128xf32, #tpu.memory_space<hbm>>
      tpu.wait_indirect_dma semaphore(%arg14 : memref<!tpu.dma_semaphore, #tpu.memory_space<semaphore_mem>>) src(%dma_wait3A_357 : memref<10000x128xf32, #tpu.memory_space<hbm>>) dst(%arg12 : memref<128x128xf32, #tpu.memory_space<vmem>>)
      "tpu.region"() ({
        %run_scoped3A = tpu.sem_alloc : memref<!tpu.dma_semaphore, #tpu.memory_space<semaphore_mem>>
        %dma_start3A_361 = arith.constant 0 : i32
        %dma_start3A_362 = arith.constant 0 : i32
        %dma_start3A_363 = tpu.memref_slice %arg6[%dma_start3A_361, %dma_start3A_362] : memref<10240x128xf32, #tpu.memory_space<vmem_shared>> -> memref<10240x128xf32, #tpu.memory_space<vmem_shared>>
        tpu.enqueue_indirect_dma source(%arg12 : memref<128x128xf32, #tpu.memory_space<vmem>>) target(%dma_start3A_363 : memref<10240x128xf32, #tpu.memory_space<vmem_shared>>) offsets(%arg10 : memref<128xi32, #tpu.memory_space<vmem>>) semaphore(%run_scoped3A : memref<!tpu.dma_semaphore, #tpu.memory_space<semaphore_mem>>) {add = true}
        %dma_wait3A_364 = arith.constant 0 : i32
        %dma_wait3A_365 = arith.constant 0 : i32
        %dma_wait3A_366 = tpu.memref_slice %arg6[%dma_wait3A_364, %dma_wait3A_365] : memref<10240x128xf32, #tpu.memory_space<vmem_shared>> -> memref<10240x128xf32, #tpu.memory_space<vmem_shared>>
        tpu.wait_indirect_dma semaphore(%run_scoped3A : memref<!tpu.dma_semaphore, #tpu.memory_space<semaphore_mem>>) src(%arg12 : memref<128x128xf32, #tpu.memory_space<vmem>>) dst(%dma_wait3A_366 : memref<10240x128xf32, #tpu.memory_space<vmem_shared>>)
        tpu.yield
      }) : () -> ()
      %dma_wait3A_358 = arith.constant 0 : i32
      %dma_wait3A_359 = arith.constant 0 : i32
      %dma_wait3A_360 = tpu.memref_slice %arg2[%dma_wait3A_358, %dma_wait3A_359] : memref<10000x128xf32, #tpu.memory_space<hbm>> -> memref<10000x128xf32, #tpu.memory_space<hbm>>
      tpu.wait_indirect_dma semaphore(%arg15 : memref<!tpu.dma_semaphore, #tpu.memory_space<semaphore_mem>>) src(%dma_wait3A_360 : memref<10000x128xf32, #tpu.memory_space<hbm>>) dst(%arg13 : memref<128x128xf32, #tpu.memory_space<vmem>>)
      "tpu.region"() ({
        %run_scoped3A = tpu.sem_alloc : memref<!tpu.dma_semaphore, #tpu.memory_space<semaphore_mem>>
        %dma_start3A_361 = arith.constant 0 : i32
        %dma_start3A_362 = arith.constant 0 : i32
        %dma_start3A_363 = tpu.memref_slice %arg6[%dma_start3A_361, %dma_start3A_362] : memref<10240x128xf32, #tpu.memory_space<vmem_shared>> -> memref<10240x128xf32, #tpu.memory_space<vmem_shared>>
        tpu.enqueue_indirect_dma source(%arg13 : memref<128x128xf32, #tpu.memory_space<vmem>>) target(%dma_start3A_363 : memref<10240x128xf32, #tpu.memory_space<vmem_shared>>) offsets(%arg11 : memref<128xi32, #tpu.memory_space<vmem>>) semaphore(%run_scoped3A : memref<!tpu.dma_semaphore, #tpu.memory_space<semaphore_mem>>) {add = true}
        %dma_wait3A_364 = arith.constant 0 : i32
        %dma_wait3A_365 = arith.constant 0 : i32
        %dma_wait3A_366 = tpu.memref_slice %arg6[%dma_wait3A_364, %dma_wait3A_365] : memref<10240x128xf32, #tpu.memory_space<vmem_shared>> -> memref<10240x128xf32, #tpu.memory_space<vmem_shared>>
        tpu.wait_indirect_dma semaphore(%run_scoped3A : memref<!tpu.dma_semaphore, #tpu.memory_space<semaphore_mem>>) src(%arg13 : memref<128x128xf32, #tpu.memory_space<vmem>>) dst(%dma_wait3A_366 : memref<10240x128xf32, #tpu.memory_space<vmem_shared>>)
        tpu.yield
      }) : () -> ()
    }
    %scan3A_20 = arith.constant 80 : i32
    %barrier3A_21 = arith.constant 0 : index
    tpu.barrier barrier_id(%barrier3A_21)
    %mul3A_22 = arith.constant 640 : i32
    %mul3A_23 = arith.muli %arg1, %mul3A_22 : i32
    %mul3A_24 = arith.constant 10240 : i32
    %mul3A_25 = arith.muli %arg0, %mul3A_24 : i32
    %mul3A_26 = arith.constant 640 : i32
    %mul3A_27 = arith.muli %arg1, %mul3A_26 : i32
    %add3A = arith.addi %mul3A_25, %mul3A_27 : i32
    "tpu.region"() ({
      %run_scoped3A = tpu.sem_alloc : memref<!tpu.dma_semaphore, #tpu.memory_space<semaphore_mem>>
      %dma_start3A = arith.constant 0 : i32
      %dma_start3A_28 = tpu.memref_slice %arg5[%add3A, %dma_start3A] : memref<20480x128xf32, #tpu.memory_space<hbm>> -> memref<640x128xf32, #tpu.memory_space<hbm>>
      %dma_start3A_29 = arith.constant 0 : i32
      %dma_start3A_30 = tpu.memref_slice %arg6[%mul3A_23, %dma_start3A_29] : memref<10240x128xf32, #tpu.memory_space<vmem_shared>> -> memref<640x128xf32, #tpu.memory_space<vmem_shared>>
      tpu.enqueue_dma source(%dma_start3A_30 : memref<640x128xf32, #tpu.memory_space<vmem_shared>>) target(%dma_start3A_28 : memref<640x128xf32, #tpu.memory_space<hbm>>) target_semaphore(%run_scoped3A : memref<!tpu.dma_semaphore, #tpu.memory_space<semaphore_mem>>)
      %dma_wait3A = arith.constant 0 : i32
      %dma_wait3A_31 = tpu.memref_slice %arg5[%add3A, %dma_wait3A] : memref<20480x128xf32, #tpu.memory_space<hbm>> -> memref<640x128xf32, #tpu.memory_space<hbm>>
      %dma_wait3A_32 = arith.constant 0 : i32
      %dma_wait3A_33 = tpu.memref_slice %arg6[%mul3A_23, %dma_wait3A_32] : memref<10240x128xf32, #tpu.memory_space<vmem_shared>> -> memref<640x128xf32, #tpu.memory_space<vmem_shared>>
      tpu.wait_dma2 semaphore(%run_scoped3A : memref<!tpu.dma_semaphore, #tpu.memory_space<semaphore_mem>>) src(%dma_wait3A_33 : memref<640x128xf32, #tpu.memory_space<vmem_shared>>) dst(%dma_wait3A_31 : memref<640x128xf32, #tpu.memory_space<hbm>>)
      tpu.yield
    }) : () -> ()
    return
  }
}

module attributes {stable_mosaic.version = 14 : i64} {
  func.func @body(%arg0: i32, %arg1: memref<1000x128xf32, #tpu.memory_space<vmem>>, %arg2: memref<1000x128xf32, #tpu.memory_space<vmem>>, %arg3: memref<1000x128xf32, #tpu.memory_space<vmem>>, %arg4: memref<1000x128xf32, #tpu.memory_space<vmem>>, %arg5: memref<128x256xf32, #tpu.memory_space<vmem>>, %arg6: memref<1x256xf32, #tpu.memory_space<vmem>>, %arg7: memref<128x256xf32, #tpu.memory_space<vmem>>, %arg8: memref<1x256xf32, #tpu.memory_space<vmem>>, %arg9: memref<256x256xf32, #tpu.memory_space<vmem>>, %arg10: memref<256x256xf32, #tpu.memory_space<vmem>>, %arg11: memref<1x256xf32, #tpu.memory_space<vmem>>, %arg12: memref<256x256xf32, #tpu.memory_space<vmem>>, %arg13: memref<1x256xf32, #tpu.memory_space<vmem>>, %arg14: memref<256x256xf32, #tpu.memory_space<vmem>>, %arg15: memref<1x256xf32, #tpu.memory_space<vmem>>, %arg16: memref<1000x256xf32, #tpu.memory_space<vmem>>) attributes {dimension_semantics = [#tpu.dimension_semantics<arbitrary>], iteration_bounds = array<i64: 10>, scalar_prefetch = 0 : i64, scratch_operands = 0 : i64, tpu.core_type = #tpu.core_type<tc>, window_params = [{transform_indices = @transform_0, window_bounds = array<i64: 1000, 128>}, {transform_indices = @transform_1, window_bounds = array<i64: 1000, 128>}, {transform_indices = @transform_2, window_bounds = array<i64: 1000, 128>}, {transform_indices = @transform_3, window_bounds = array<i64: 1000, 128>}, {pipeline_mode = #tpu.pipeline_mode<synchronous>, transform_indices = @transform_4, window_bounds = array<i64: 128, 256>}, {pipeline_mode = #tpu.pipeline_mode<synchronous>, transform_indices = @transform_5, window_bounds = array<i64: 1, 256>}, {pipeline_mode = #tpu.pipeline_mode<synchronous>, transform_indices = @transform_6, window_bounds = array<i64: 128, 256>}, {pipeline_mode = #tpu.pipeline_mode<synchronous>, transform_indices = @transform_7, window_bounds = array<i64: 1, 256>}, {pipeline_mode = #tpu.pipeline_mode<synchronous>, transform_indices = @transform_8, window_bounds = array<i64: 256, 256>}, {pipeline_mode = #tpu.pipeline_mode<synchronous>, transform_indices = @transform_9, window_bounds = array<i64: 256, 256>}, {pipeline_mode = #tpu.pipeline_mode<synchronous>, transform_indices = @transform_10, window_bounds = array<i64: 1, 256>}, {pipeline_mode = #tpu.pipeline_mode<synchronous>, transform_indices = @transform_11, window_bounds = array<i64: 256, 256>}, {pipeline_mode = #tpu.pipeline_mode<synchronous>, transform_indices = @transform_12, window_bounds = array<i64: 1, 256>}, {pipeline_mode = #tpu.pipeline_mode<synchronous>, transform_indices = @transform_13, window_bounds = array<i64: 256, 256>}, {pipeline_mode = #tpu.pipeline_mode<synchronous>, transform_indices = @transform_14, window_bounds = array<i64: 1, 256>}, {transform_indices = @transform_15, window_bounds = array<i64: 1000, 256>}]} {
    %get3A = arith.constant 0 : index
    %get3A_0 = arith.constant 0 : index
    %get3A_1 = vector.load %arg4[%get3A, %get3A_0] : memref<1000x128xf32, #tpu.memory_space<vmem>>, vector<1000x1xf32>
    %get3A_2 = arith.constant 0 : index
    %get3A_3 = arith.constant 0 : index
    %get3A_4 = vector.load %arg5[%get3A_2, %get3A_3] : memref<128x256xf32, #tpu.memory_space<vmem>>, vector<128x256xf32>
    %get3A_5 = arith.constant 0 : index
    %get3A_6 = arith.constant 0 : index
    %get3A_7 = vector.load %arg7[%get3A_5, %get3A_6] : memref<128x256xf32, #tpu.memory_space<vmem>>, vector<128x256xf32>
    %get3A_8 = arith.constant 0 : index
    %get3A_9 = arith.constant 0 : index
    %get3A_10 = vector.load %arg6[%get3A_8, %get3A_9] : memref<1x256xf32, #tpu.memory_space<vmem>>, vector<1x256xf32>
    %get3A_11 = arith.constant 0 : index
    %get3A_12 = arith.constant 0 : index
    %get3A_13 = vector.load %arg8[%get3A_11, %get3A_12] : memref<1x256xf32, #tpu.memory_space<vmem>>, vector<1x256xf32>
    %get3A_14 = arith.constant 0 : index
    %get3A_15 = arith.constant 0 : index
    %get3A_16 = vector.load %arg2[%get3A_14, %get3A_15] : memref<1000x128xf32, #tpu.memory_space<vmem>>, vector<1000x128xf32>
    %dot_general3A = arith.constant dense<0.000000e+00> : vector<1000x256xf32>
    %dot_general3A_17 = tpu.matmul %get3A_16, %get3A_4, %dot_general3A {dimension_numbers = #tpu.dot_dimension_numbers<[1], [0], [0], [1], [0, 0, 1, 1], [], []>, transpose_lhs_hint = false} : vector<1000x128xf32>, vector<128x256xf32>, vector<1000x256xf32> -> vector<1000x256xf32>
    %get3A_18 = arith.constant 0 : index
    %get3A_19 = arith.constant 0 : index
    %get3A_20 = vector.load %arg3[%get3A_18, %get3A_19] : memref<1000x128xf32, #tpu.memory_space<vmem>>, vector<1000x128xf32>
    %dot_general3A_21 = arith.constant dense<0.000000e+00> : vector<1000x256xf32>
    %dot_general3A_22 = tpu.matmul %get3A_20, %get3A_7, %dot_general3A_21 {dimension_numbers = #tpu.dot_dimension_numbers<[1], [0], [0], [1], [0, 0, 1, 1], [], []>, transpose_lhs_hint = false} : vector<1000x128xf32>, vector<128x256xf32>, vector<1000x256xf32> -> vector<1000x256xf32>
    %add3A = arith.addf %dot_general3A_17, %dot_general3A_22 : vector<1000x256xf32>
    %mul3A = vector.broadcast %get3A_1 : vector<1000x1xf32> to vector<1000x256xf32>
    %mul3A_23 = vector.broadcast %get3A_10 : vector<1x256xf32> to vector<1000x256xf32>
    %mul3A_24 = arith.mulf %mul3A, %mul3A_23 : vector<1000x256xf32>
    %add3A_25 = arith.addf %add3A, %mul3A_24 : vector<1000x256xf32>
    %max3A = arith.constant 1.000000e+00 : f32
    %max3A_26 = vector.broadcast %max3A : f32 to vector<1000x1xf32>
    %max3A_27 = arith.maximumf %get3A_1, %max3A_26 : vector<1000x1xf32>
    %div3A = vector.broadcast %max3A_27 : vector<1000x1xf32> to vector<1000x256xf32>
    %div3A_28 = arith.divf %add3A_25, %div3A : vector<1000x256xf32>
    %lt3A = arith.constant 5 : i32
    %lt3A_29 = arith.cmpi slt, %arg0, %lt3A : i32
    %select_n3A = arith.select %lt3A_29, %get3A_4, %get3A_7 : vector<128x256xf32>
    %select_n3A_30 = arith.select %lt3A_29, %get3A_10, %get3A_13 : vector<1x256xf32>
    %get3A_31 = arith.constant 0 : index
    %get3A_32 = arith.constant 0 : index
    %get3A_33 = vector.load %arg1[%get3A_31, %get3A_32] : memref<1000x128xf32, #tpu.memory_space<vmem>>, vector<1000x128xf32>
    %dot_general3A_34 = arith.constant dense<0.000000e+00> : vector<1000x256xf32>
    %dot_general3A_35 = tpu.matmul %get3A_33, %select_n3A, %dot_general3A_34 {dimension_numbers = #tpu.dot_dimension_numbers<[1], [0], [0], [1], [0, 0, 1, 1], [], []>, transpose_lhs_hint = false} : vector<1000x128xf32>, vector<128x256xf32>, vector<1000x256xf32> -> vector<1000x256xf32>
    %add3A_36 = vector.broadcast %select_n3A_30 : vector<1x256xf32> to vector<1000x256xf32>
    %add3A_37 = arith.addf %dot_general3A_35, %add3A_36 : vector<1000x256xf32>
    %get3A_38 = arith.constant 0 : index
    %get3A_39 = arith.constant 0 : index
    %get3A_40 = vector.load %arg9[%get3A_38, %get3A_39] : memref<256x256xf32, #tpu.memory_space<vmem>>, vector<256x256xf32>
    %dot_general3A_41 = arith.constant dense<0.000000e+00> : vector<1000x256xf32>
    %dot_general3A_42 = tpu.matmul %div3A_28, %get3A_40, %dot_general3A_41 {dimension_numbers = #tpu.dot_dimension_numbers<[1], [0], [0], [1], [0, 0, 1, 1], [], []>, transpose_lhs_hint = false} : vector<1000x256xf32>, vector<256x256xf32>, vector<1000x256xf32> -> vector<1000x256xf32>
    %get3A_43 = arith.constant 0 : index
    %get3A_44 = arith.constant 0 : index
    %get3A_45 = vector.load %arg11[%get3A_43, %get3A_44] : memref<1x256xf32, #tpu.memory_space<vmem>>, vector<1x256xf32>
    %add3A_46 = vector.broadcast %get3A_45 : vector<1x256xf32> to vector<1000x256xf32>
    %add3A_47 = arith.addf %dot_general3A_42, %add3A_46 : vector<1000x256xf32>
    %get3A_48 = arith.constant 0 : index
    %get3A_49 = arith.constant 0 : index
    %get3A_50 = vector.load %arg10[%get3A_48, %get3A_49] : memref<256x256xf32, #tpu.memory_space<vmem>>, vector<256x256xf32>
    %dot_general3A_51 = arith.constant dense<0.000000e+00> : vector<1000x256xf32>
    %dot_general3A_52 = tpu.matmul %add3A_37, %get3A_50, %dot_general3A_51 {dimension_numbers = #tpu.dot_dimension_numbers<[1], [0], [0], [1], [0, 0, 1, 1], [], []>, transpose_lhs_hint = false} : vector<1000x256xf32>, vector<256x256xf32>, vector<1000x256xf32> -> vector<1000x256xf32>
    %add3A_53 = arith.addf %add3A_47, %dot_general3A_52 : vector<1000x256xf32>
    %max3A_54 = arith.constant 0.000000e+00 : f32
    %max3A_55 = vector.broadcast %max3A_54 : f32 to vector<1000x256xf32>
    %max3A_56 = arith.maximumf %add3A_53, %max3A_55 : vector<1000x256xf32>
    %get3A_57 = arith.constant 0 : index
    %get3A_58 = arith.constant 0 : index
    %get3A_59 = vector.load %arg12[%get3A_57, %get3A_58] : memref<256x256xf32, #tpu.memory_space<vmem>>, vector<256x256xf32>
    %dot_general3A_60 = arith.constant dense<0.000000e+00> : vector<1000x256xf32>
    %dot_general3A_61 = tpu.matmul %max3A_56, %get3A_59, %dot_general3A_60 {dimension_numbers = #tpu.dot_dimension_numbers<[1], [0], [0], [1], [0, 0, 1, 1], [], []>, transpose_lhs_hint = false} : vector<1000x256xf32>, vector<256x256xf32>, vector<1000x256xf32> -> vector<1000x256xf32>
    %get3A_62 = arith.constant 0 : index
    %get3A_63 = arith.constant 0 : index
    %get3A_64 = vector.load %arg13[%get3A_62, %get3A_63] : memref<1x256xf32, #tpu.memory_space<vmem>>, vector<1x256xf32>
    %add3A_65 = vector.broadcast %get3A_64 : vector<1x256xf32> to vector<1000x256xf32>
    %add3A_66 = arith.addf %dot_general3A_61, %add3A_65 : vector<1000x256xf32>
    %max3A_67 = arith.constant 0.000000e+00 : f32
    %max3A_68 = vector.broadcast %max3A_67 : f32 to vector<1000x256xf32>
    %max3A_69 = arith.maximumf %add3A_66, %max3A_68 : vector<1000x256xf32>
    %get3A_70 = arith.constant 0 : index
    %get3A_71 = arith.constant 0 : index
    %get3A_72 = vector.load %arg14[%get3A_70, %get3A_71] : memref<256x256xf32, #tpu.memory_space<vmem>>, vector<256x256xf32>
    %dot_general3A_73 = arith.constant dense<0.000000e+00> : vector<1000x256xf32>
    %dot_general3A_74 = tpu.matmul %max3A_69, %get3A_72, %dot_general3A_73 {dimension_numbers = #tpu.dot_dimension_numbers<[1], [0], [0], [1], [0, 0, 1, 1], [], []>, transpose_lhs_hint = false} : vector<1000x256xf32>, vector<256x256xf32>, vector<1000x256xf32> -> vector<1000x256xf32>
    %get3A_75 = arith.constant 0 : index
    %get3A_76 = arith.constant 0 : index
    %get3A_77 = vector.load %arg15[%get3A_75, %get3A_76] : memref<1x256xf32, #tpu.memory_space<vmem>>, vector<1x256xf32>
    %add3A_78 = vector.broadcast %get3A_77 : vector<1x256xf32> to vector<1000x256xf32>
    %add3A_79 = arith.addf %dot_general3A_74, %add3A_78 : vector<1000x256xf32>
    %swap3A = arith.constant 0 : index
    %swap3A_80 = arith.constant 0 : index
    %swap3A_81 = vector.load %arg16[%swap3A, %swap3A_80] : memref<1000x256xf32, #tpu.memory_space<vmem>>, vector<1000x256xf32>
    tpu.vector_store %arg16[%swap3A, %swap3A_80], %add3A_79 {strides = array<i32>} : memref<1000x256xf32, #tpu.memory_space<vmem>>, vector<1000x256xf32>,
    return
  }
  func.func @transform_0(%arg0: i32) -> (i32, i32) {
    %c0_i32 = arith.constant 0 : i32
    %c0_i32_0 = arith.constant 0 : i32
    return %arg0, %c0_i32 : i32, i32
  }
  func.func @transform_1(%arg0: i32) -> (i32, i32) {
    %c0_i32 = arith.constant 0 : i32
    %c0_i32_0 = arith.constant 0 : i32
    return %arg0, %c0_i32 : i32, i32
  }
  func.func @transform_2(%arg0: i32) -> (i32, i32) {
    %c0_i32 = arith.constant 0 : i32
    %c0_i32_0 = arith.constant 0 : i32
    return %arg0, %c0_i32 : i32, i32
  }
  func.func @transform_3(%arg0: i32) -> (i32, i32) {
    %c0_i32 = arith.constant 0 : i32
    %c0_i32_0 = arith.constant 0 : i32
    return %arg0, %c0_i32 : i32, i32
  }
  func.func @transform_4(%arg0: i32) -> (i32, i32) {
    %c0_i32 = arith.constant 0 : i32
    %c0_i32_0 = arith.constant 0 : i32
    %c0_i32_1 = arith.constant 0 : i32
    return %c0_i32, %c0_i32_0 : i32, i32
  }
  func.func @transform_5(%arg0: i32) -> (i32, i32) {
    %c0_i32 = arith.constant 0 : i32
    %c0_i32_0 = arith.constant 0 : i32
    %c0_i32_1 = arith.constant 0 : i32
    return %c0_i32, %c0_i32_0 : i32, i32
  }
  func.func @transform_6(%arg0: i32) -> (i32, i32) {
    %c0_i32 = arith.constant 0 : i32
    %c0_i32_0 = arith.constant 0 : i32
    %c0_i32_1 = arith.constant 0 : i32
    return %c0_i32, %c0_i32_0 : i32, i32
  }
  func.func @transform_7(%arg0: i32) -> (i32, i32) {
    %c0_i32 = arith.constant 0 : i32
    %c0_i32_0 = arith.constant 0 : i32
    %c0_i32_1 = arith.constant 0 : i32
    return %c0_i32, %c0_i32_0 : i32, i32
  }
  func.func @transform_8(%arg0: i32) -> (i32, i32) {
    %c0_i32 = arith.constant 0 : i32
    %c0_i32_0 = arith.constant 0 : i32
    %c0_i32_1 = arith.constant 0 : i32
    return %c0_i32, %c0_i32_0 : i32, i32
  }
  func.func @transform_9(%arg0: i32) -> (i32, i32) {
    %c0_i32 = arith.constant 0 : i32
    %c0_i32_0 = arith.constant 0 : i32
    %c0_i32_1 = arith.constant 0 : i32
    return %c0_i32, %c0_i32_0 : i32, i32
  }
  func.func @transform_10(%arg0: i32) -> (i32, i32) {
    %c0_i32 = arith.constant 0 : i32
    %c0_i32_0 = arith.constant 0 : i32
    %c0_i32_1 = arith.constant 0 : i32
    return %c0_i32, %c0_i32_0 : i32, i32
  }
  func.func @transform_11(%arg0: i32) -> (i32, i32) {
    %c0_i32 = arith.constant 0 : i32
    %c0_i32_0 = arith.constant 0 : i32
    %c0_i32_1 = arith.constant 0 : i32
    return %c0_i32, %c0_i32_0 : i32, i32
  }
  func.func @transform_12(%arg0: i32) -> (i32, i32) {
    %c0_i32 = arith.constant 0 : i32
    %c0_i32_0 = arith.constant 0 : i32
    %c0_i32_1 = arith.constant 0 : i32
    return %c0_i32, %c0_i32_0 : i32, i32
  }
  func.func @transform_13(%arg0: i32) -> (i32, i32) {
    %c0_i32 = arith.constant 0 : i32
    %c0_i32_0 = arith.constant 0 : i32
    %c0_i32_1 = arith.constant 0 : i32
    return %c0_i32, %c0_i32_0 : i32, i32
  }
  func.func @transform_14(%arg0: i32) -> (i32, i32) {
    %c0_i32 = arith.constant 0 : i32
    %c0_i32_0 = arith.constant 0 : i32
    %c0_i32_1 = arith.constant 0 : i32
    return %c0_i32, %c0_i32_0 : i32, i32
  }
  func.func @transform_15(%arg0: i32) -> (i32, i32) {
    %c0_i32 = arith.constant 0 : i32
    %c0_i32_0 = arith.constant 0 : i32
    return %arg0, %c0_i32 : i32, i32
  }
}

</mosaic_0001>

<sc_bundles>
// kernel: kernel.5.cloned.1.call-start
scs
__scs_entry_jumppad:
0x0: {  	(pc) =	sbr.rel $0x88, $3  }
0x1: {  	(tag) =	ssettag $0x0;
	lr =	simm.s32 $0x1  }
0x2: {  	[smem:$0x3F93] =	sst lr;
	_ =	strace $0xD0000000  }
0x3: {  	_ = 	snop  }
0x4: {  	_ = 	snop  }
0x5: {  	_ = 	snop  }
0x6: {  	_ = 	snop  }
0x7: {  	_ = 	snop  }
__scs_overlays_trampoline_lowered:
0x8: {  	[smem:$0x3FA2] =	sst s0  }
0x9: {  	[smem:$0x3FA3] =	sst s1  }
0xa: {  	[smem:$0x3FA4] =	sst s2  }
0xb: {  	[smem:$0x3FA5] =	sst s3  }
0xc: {  	[smem:$0x3FA6] =	sst s4  }
0xd: {  	[smem:$0x3FA7] =	sst s5  }
0xe: {  	[smem:$0x3FA8] =	sst s6  }
0xf: {  	[smem:$0x3FA9] =	sst s7  }
0x10: {  	[smem:$0x3FAA] =	sst s8  }
0x11: {  	[smem:$0x3FAB] =	sst s9;
	s0 =	simm.s32 @!p0 $0x0  }
0x12: {  	s1 =	sld [smem:$0x3F91];
	s0 =	simm.s32 @p0 $0x1  }
0x13: {  	[smem:$0x3FAC] =	sst s0;
	s0 =	simm.s32 @!p1 $0x0  }
0x14: {  	s2 =	sld [smem:$0x3F90];
	s0 =	simm.s32 @p1 $0x1  }
0x15: {  	[smem:$0x3FAD] =	sst s0;
	s0 =	simm.s32 @!p2 $0x0  }
0x16: {  	s3 =	sld [smem:$0x3FDB];
	s0 =	simm.s32 @p2 $0x1  }
0x17: {  	s4 =	simm.s32 $0x1BF5;
	[smem:$0x3FAF] =	sst s0  }
0x18: {  	s0 =	sld [smem:$0x3F92];
	_ =	swait.ge [sflag:s4], $0x0  }
0x19: {  	s7 =	sld [smem:$0x3F93]  }
0x1a: {  	s8 =	sadd.s32 $0xFFFFE003, lr  }
0x1b: {  	s9 =	sadd.s32 $0xFFFFFEF7, lr;
	s5 =	simm.s32 $0xFFFFFFFF;
	p2 =	slt.u32 s8, $0xFFFFF086  }
0x1c: {  	p1 =	slt.u32 s9, $0xF7A;
	s5 =	simm.s32 @!p2 $0x0  }
0x1d: {  	s5 =	simm.s32 @p1 $0x1;
	p0 =	seq.s32 s7, s2  }
0x1e: {  	s7 =	smul.u32 @!p0 $0xF7A, s2;
	p2 =	seq.s32 @!p0 s5, $0x0  }
0x1f: {  	s9 =	smul.u32 $0xF7A, s1;
	s8 =	simm.s32 @!p0 $0x1BF5;
	p2 =	por !p2, p0  }
0x20: {  	[sflag:s8] =	ssyncset.s32 @!p0 $0xFFFFF086;
	s6 =	sadd.s32 @!p0 s3, s7;
	s7 =	simm.s32 @!p0 $0x108  }
0x21: {  	s3 =	sadd.s32 s3, s9;
	s6 =	sadd.s32 @!p0 $0x88, s6;
	s7 =	simm.s32 @p2 $0x1082  }
0x22: {  	[simem:s7], [sflag:s8] =	dma.local @!p0 [hbm:s6], $0xF7A  }
0x23: {  	s9 =	sor.u32 $0xD0000000, s2;
	s6 =	simm.s32 $0x108;
	_ =	swait.ge @!p0 [sflag:s8], $0x0  }
0x24: {  	s3 =	sadd.s32 $0x88, s3;
	s6 =	simm.s32 @!p1 $0x1082;
	[sflag:s4] =	ssyncset.s32 $0xFFFFF086  }
0x25: {  	[simem:s6], [sflag:s4] =	dma.local [hbm:s3], $0xF7A  }
0x26: {  	[smem:$0x3F93] =	sst s1;
	(tag) =	ssettag s2;
	_ =	strace s9  }
0x27: {  	s1 =	sld [smem:$0x3FA3]  }
0x28: {  	s2 =	sld [smem:$0x3FA4]  }
0x29: {  	s4 =	sld [smem:$0x3FA6]  }
0x2a: {  	p0 =	seq.s32 s5, $0x0;
	s5 =	sld [smem:$0x3FA7]  }
0x2b: {  	s6 =	sld [smem:$0x3FA8]  }
0x2c: {  	s7 =	sld [smem:$0x3FA9]  }
0x2d: {  	s3 =	simm.s32 $0x108;
	s8 =	sld [smem:$0x3FAA]  }
0x2e: {  	s3 =	simm.s32 @!p0 $0x1082;
	s9 =	sld [smem:$0x3FAB]  }
0x2f: {  	lr =	sadd.s32 s0, s3;
	s0 =	sld [smem:$0x3FA2]  }
0x30: {  	s3 =	sld [smem:$0x3FA5]  }
0x31: {  	[smem:$0x3FAE] =	sst s10  }
0x32: {  	s10 =	sld [smem:$0x3FAC];
	_ =	sdelay $0x3  }
0x33: {  	p0 =	seq.s32 s10, $0x1;
	s10 =	sld [smem:$0x3FAE];
	_ =	sdelay $0x3  }
0x34: {  	[smem:$0x3FAE] =	sst s10  }
0x35: {  	s10 =	sld [smem:$0x3FAD];
	_ =	sdelay $0x3  }
0x36: {  	p1 =	seq.s32 s10, $0x1;
	s10 =	sld [smem:$0x3FAE];
	_ =	sdelay $0x3  }
0x37: {  	[smem:$0x3FAE] =	sst s10  }
0x38: {  	s10 =	sld [smem:$0x3FAF]  }
0x39: {  	_ = 	snop;
	(pc) =	sbr.ind lr, $3  }
0x3a: {  	_ = 	snop  }
0x3b: {  	_ = 	snop  }
0x3c: {  	p2 =	seq.s32 s10, $0x1;
	s10 =	sld [smem:$0x3FAE]  }
0x3d: {  	_ =	shalt  }
0x3e: {  	_ =	shalt  }
0x3f: {  	_ =	shalt  }
0x40: {  	_ =	shalt  }
0x41: {  	_ =	shalt  }
0x42: {  	_ =	shalt  }
0x43: {  	_ =	shalt  }
0x44: {  	_ =	shalt  }
0x45: {  	_ =	shalt  }
0x46: {  	_ =	shalt  }
0x47: {  	_ =	shalt  }
0x48: {  	_ =	shalt  }
0x49: {  	_ =	shalt  }
0x4a: {  	_ =	shalt  }
0x4b: {  	_ =	shalt  }
0x4c: {  	_ =	shalt  }
0x4d: {  	_ =	shalt  }
0x4e: {  	_ =	shalt  }
0x4f: {  	_ =	shalt  }
0x50: {  	_ =	shalt  }
0x51: {  	_ =	shalt  }
0x52: {  	_ =	shalt  }
0x53: {  	_ =	shalt  }
0x54: {  	_ =	shalt  }
0x55: {  	_ =	shalt  }
0x56: {  	_ =	shalt  }
0x57: {  	_ =	shalt  }
0x58: {  	_ =	shalt  }
0x59: {  	_ =	shalt  }
0x5a: {  	_ =	shalt  }
0x5b: {  	_ =	shalt  }
0x5c: {  	_ =	shalt  }
0x5d: {  	_ =	shalt  }
0x5e: {  	_ =	shalt  }
0x5f: {  	_ =	shalt  }
0x60: {  	_ =	shalt  }
0x61: {  	_ =	shalt  }
0x62: {  	_ =	shalt  }
0x63: {  	_ =	shalt  }
0x64: {  	_ =	shalt  }
0x65: {  	_ =	shalt  }
0x66: {  	_ =	shalt  }
0x67: {  	_ =	shalt  }
0x68: {  	_ =	shalt  }
0x69: {  	_ =	shalt  }
0x6a: {  	_ =	shalt  }
0x6b: {  	_ =	shalt  }
0x6c: {  	_ =	shalt  }
0x6d: {  	_ =	shalt  }
0x6e: {  	_ =	shalt  }
0x6f: {  	_ =	shalt  }
0x70: {  	_ =	shalt  }
0x71: {  	_ =	shalt  }
0x72: {  	_ =	shalt  }
0x73: {  	_ =	shalt  }
0x74: {  	_ =	shalt  }
0x75: {  	_ =	shalt  }
0x76: {  	_ =	shalt  }
0x77: {  	_ =	shalt  }
0x78: {  	_ =	shalt  }
0x79: {  	_ =	shalt  }
0x7a: {  	_ =	shalt  }
0x7b: {  	_ =	shalt  }
0x7c: {  	_ =	shalt  }
0x7d: {  	_ =	shalt  }
0x7e: {  	_ =	shalt  }
0x7f: {  	_ =	shalt  }
0x80: {  	_ =	shalt  }
0x81: {  	_ =	shalt  }
0x82: {  	_ =	shalt  }
0x83: {  	_ =	shalt  }
0x84: {  	_ =	shalt  }
0x85: {  	_ =	shalt  }
0x86: {  	_ =	shalt  }
0x87: {  	_ =	shalt  }
.Lfunc_end0:
.L_simem_size_0:
called_computation_lowered:
.L_overlay_start_0:
0x88: {  	s2 =	sld [smem:$0x3FD9]  }
0x89: {  	s3 =	sld [smem:$0x3FFE];
	_ =	sdelay $0x1  }
0x8a: {  	s1 =	srdreg.scid  }
0x8b: {  	s0 =	sand.u32 $0x1, s1  }
0x8c: {  	s17 =	sshll.u32 s0, $0xA;
	s2 =	sadd.s32 s3, s2  }
0x8d: {  	s2 =	sadd.s32 s2, s17  }
0x8e: {  	[smem:$0x3FBA] =	sst s2  }
0x8f: {  	_ = 	snop  }
0x90: {  	(tm) =	ssettm $0x1  }
0x91: {  	s18 =	sld [smem:$0x3FFB];
	_ =	sdelay $0x3  }
0x92: {  	_ =	strace s18  }
0x93: {  	s2 =	sld [smem:$0x3FFC];
	_ =	sdelay $0x3  }
0x94: {  	_ =	strace s2  }
0x95: {  	s2 =	sld [smem:$0x3FFD];
	_ =	sdelay $0x3  }
0x96: {  	_ =	strace s2  }
0x97: {  	_ =	strace $0x8FFFFFFF  }
0x98: {  	s19 =	sld [smem:$0x3FDB];
	_ =	sdelay $0x1  }
0x99: {  	s20 =	simm.s32 $_scs_section_size  }
0x9a: {  	s4 =	simm.s32 $_size__tile_overlayer_lowered;
	s5 =	simm.s32 $_tile_overlayer_lowered  }
0x9b: {  	s6 =	simm.s32 $0x1BFF;
	s21 =	sshll.u32 s5, $0x1;
	s3 =	sadd.s32 s20, s19  }
0x9c: {  	s22 =	simm.s32 $0x0;
	s4 =	sshll.u32 s4, $0x1;
	s5 =	sadd.s32 s21, s3  }
0x9d: {  	[timem:s22], [sflag:s6] =	dma.local [hbm:s5], s4  }
0x9e: {  	_ =	swait.ge [sflag:s6], s4  }
0x9f: {  	s4 =	ssub.s32 $0x0, s4;
	[sflag:s6] =	ssyncset.done $0x0  }
0xa0: {  	[sflag:s6] =	ssyncadd.s32 s4;
	_ =	sdelay $0x1  }
0xa1: {  	s23 =	simm.s32 $0x1B8B  }
0xa2: {  	_ =	swait.ge [sflag:s23], $0x1  }
0xa3: {  	[sflag:s23] =	ssyncset.done $0x0  }
0xa4: {  	[sflag:s23] =	ssyncadd.s32 $0xFFFFFFFF  }
0xa5: {  	s4 =	sld [smem:$0x0]  }
0xa6: {  	s5 =	sand.u32 $0xFFFFFFFE, s1  }
0xa7: {  	p0 =	sne.s32 s1, s5  }
0xa8: {  	s5 =	sshll.u32 @p0 s5, $0xE  }
0xa9: {  	s5 =	sadd.s32 @p0 $0x11B8D, s5;
	s6 =	sshll.u32 @p0 s4, $0x11  }
0xaa: {  	s5 =	sor.u32 @p0 s6, s5  }
0xab: {  	[sflag:s5] =	ssyncadd.remote.s32 @p0 $0x1;
	_ =	sdelay $0x1  }
0xac: {  	s5 =	simm.s32 @p0 $0x1B8D  }
0xad: {  	_ =	swait.eq @p0 [sflag:s5], $0x1  }
0xae: {  	[sflag:s5] =	ssyncadd.s32 @p0 $0xFFFFFFFF  }
0xaf: {  	s6 =	sshll.u32 @!p0 s1, $0xE  }
0xb0: {  	s6 =	sor.u32 @!p0 $0x4000, s6;
	s5 =	simm.s32 @!p0 $0x1B8D  }
0xb1: {  	s4 =	sshll.u32 @!p0 s4, $0x11;
	s6 =	sadd.s32 @!p0 $0x11B8D, s6;
	_ =	swait.eq @!p0 [sflag:s5], $0x1  }
0xb2: {  	s4 =	sor.u32 @!p0 s4, s6;
	[sflag:s5] =	ssyncadd.s32 @!p0 $0xFFFFFFFF  }
0xb3: {  	s25 =	simm.s32 $0x1B8E;
	s24 =	sld [smem:$0x3FFE];
	[sflag:s4] =	ssyncadd.remote.s32 @!p0 $0x1  }
0xb4: {  	s26 =	simm.s32 $execute0_lowered;
	[smem:$0x3FD2] =	sst s25  }
0xb5: {  	s5 =	sshll.u32 s26, $0x1;
	_ =	strace $0x80000049;
	[dreg:$0x1] =	wrdreg $0xFFFFFFFF  }
0xb6: {  	s28 =	simm.s32 $_size_execute0_lowered;
	s3 =	sadd.s32 s3, s5;
	[dreg:$0x0] =	wrdreg $0x0  }
0xb7: {  	s5 =	sshll.u32 s28, $0x1;
	[dreg:$0x2] =	wrdreg s3  }
0xb8: {  	[dreg:$0x3] =	wrdreg s5  }
0xb9: {  	[dreg:$0x4] =	wrdreg $0xC0  }
0xba: {  	_ =	task [dreg:s22], $0x5FFFF  }
0xbb: {  	[dreg:$0x1] =	wrdreg $0xFFFFFFFF  }
0xbc: {  	[dreg:$0x0] =	wrdreg $0x60  }
0xbd: {  	[dreg:$0x2] =	wrdreg s24  }
0xbe: {  	[dreg:$0x3] =	wrdreg $0x0  }
0xbf: {  	[dreg:$0x4] =	wrdreg $0x9  }
0xc0: {  	_ =	task.clear_ibuf [dreg:s22], $0x5FFFF;
	_ =	strace $0x90000049  }
0xc1: {  	s29 =	simm.s32 $0x9;
	_ =	strace $0x8000004B  }
0xc2: {  	_ =	swait.ge [sflag:s29], $0x1  }
0xc3: {  	[sflag:s29] =	ssyncadd.s32 $0xFFFFFFFF  }
0xc4: {  	_ =	strace $0x9000004B  }
0xc5: {  	_ =	sfence  }
0xc6: {  	s30 =	sld [smem:$0x0];
	_ =	sdelay $0x2  }
0xc7: {  	s31 =	sshll.u32 s1, $0xD;
	s1 =	sshrl.u32 s1, $0x2  }
0xc8: {  	s4 =	sand.u32 $0x4000, s31;
	s1 =	sadd.s32 s1, s30  }
0xc9: {  	s0 =	sor.u32 s4, s0;
	s1 =	sshll.u32 s1, $0x11  }
0xca: {  	s0 =	sor.u32 s1, s0  }
0xcb: {  	s0 =	sadd.s32 $0x8F2B, s0  }
0xcc: {  	[sflag:s0] =	ssyncadd.remote.s32 $0x1  }
0xcd: {  	_ =	sfence.sel $0xFFFF  }
0xce: {  	[dreg:$0x0] =	wrdreg $0xFFFFFFFF;
	(pc) =	sbr.abs _section_cstart, $3  }
0xcf: {  	[dreg:$0x1] =	wrdreg $0xFFFFFFFF  }
0xd0: {  	_ =	task.clear_ibuf [dreg:s22], $0x2FFFF;
	_ =	strace $0x9FFFFFFF  }
0xd1: {  	(tm) =	ssettm $0x7FFFFFFF  }
tec
execute0_lowered:
.L_overlay_start_1:
0x0: {  	(tag) =	ssettag $0x1  }
0x1: {  	s5 =	rddreg [dreg:$0x0];
	s0 =	stileid.u32  }
0x2: {  	s1 =	srdreg.scid;
	s2 =	rddreg [dreg:$0x1];
	s3 =	simm.s32 $0x0  }
0x3: {  	s14 =	simm.s32 $0x14280;
	s15 =	simm.s32 $0x3;
	s16 =	simm.s32 $0x14000  }
0x4: {  	s17 =	simm.s32 $0x14100;
	s18 =	simm.s32 $0x80;
	s19 =	simm.s32 $0x14080  }
0x5: {  	s20 =	simm.s32 $0x18280;
	s21 =	simm.s32 $0x1;
	s6 =	smul.u32 $0xA00, s0  }
0x6: {  	s22 =	simm.s32 $0x14180;
	s25 =	simm.s32 $0x0;
	s9 =	smul.u32 $0x2800, s0  }
0x7: {  	s7 =	sand.u32 $0x1, s1;
	s1 =	rddreg [dreg:$0x2];
	s10 =	smul.u32 $0x50000, s0  }
0x8: {  	[smem:$0x7FF] =	sst s3;
	s4 =	sadd.s32 $0x16800, s5;
	s8 =	smul.u32 $0x28000, s7  }
0x9: {  	_ =	strace $0x8000004A;
	s29 =	ssub.s32 $0x2, s7;
	s23 =	smul.u32 $0x1388, s7  }
0xa: {  	s13 =	sadd.s32 s6, s5;
	s30 =	sshrl.u32 s29, $0x1;
	s10 =	sshrl.u32 s10, $0x2  }
0xb: {  	s28 =	sadd.s32 s9, s8;
	s31 =	ssub.s32 s29, s30;
	s24 =	sadd.s32 $0x1388, s23  }
0xc: {  	s12 =	sadd.s32 $0xC800, s13;
	s13 =	sadd.s32 $0x2800, s13;
	v0 =	vmov s23;
	s23 =	simm.s32 $0x2  }
0xd: {  	s6 =	sadd.s32 s28, s5;
	s5 =	sadd.s32 s10, s2;
	s7 =	smax.u32 s31, $0x1  }
0xe: {  	v1 =	vmov s24;
	s24 =	simm.s32 $0x14200;
	s6 =	sadd.s32 $0x3DA00, s6;
	s8 =	sadd.s32 $0x4000, s5  }
0xf: {  	v2 =	vimm.f32 $0.0e+00;
	s9 =	sadd.s32 $0x8000, s5;
	s10 =	sadd.s32 $0xC000, s5;
	s11 =	sadd.s32 $0x10000, s5  }
.LBB2_1:
0x10: {  	s26 =	simm.s32 $0x0;
	s28 =	simm.s32 $0x200  }
.LBB2_2:
0x11: {  	p0 =	sne.s32 s28, $0xFE00;
	[tilespmem:s26+$0x142F0] =	vst v2  }
0x12: {  	[tilespmem:s26+$0x14280] =	vst v2  }
0x13: {  	[tilespmem:s26+$0x14290] =	vst v2  }
.Ltmp0:
0x14: {  	[tilespmem:s26+$0x142A0] =	vst v2;
	(pc) =	sbr.rel @p0 .LBB2_2-.Ltmp0, $4  }
0x15: {  	[tilespmem:s26+$0x142B0] =	vst v2  }
0x16: {  	[tilespmem:s26+$0x142C0] =	vst v2  }
0x17: {  	[tilespmem:s26+$0x142D0] =	vst v2  }
0x18: {  	[tilespmem:s26+$0x142E0] =	vst v2;
	s26 =	sshra.s32 s28, $0x2;
	s28 =	sadd.s32 $0x200, s28  }
0x19: {  	[tilespmem:s26+$0x142F0] =	vst v2  }
0x1a: {  	[tilespmem:s26+$0x14280] =	vst v2  }
0x1b: {  	[tilespmem:s26+$0x14290] =	vst v2  }
0x1c: {  	[tilespmem:s26+$0x142A0] =	vst v2  }
0x1d: {  	[tilespmem:s26+$0x142B0] =	vst v2  }
0x1e: {  	[tilespmem:s26+$0x142C0] =	vst v2  }
0x1f: {  	[tilespmem:s26+$0x142D0] =	vst v2  }
0x20: {  	[tilespmem:s26+$0x142E0] =	vst v2  }
0x21: {  	[spmem:s5] =	stream.linear.scatter [tilespmem:s14], [sflag:$0x3], $0x4000, $0x38;
	[tilespmem:$0x1C280] =	vst v63  }
0x22: {  	_ =	swait.ge [sflag:s15], $0x4000  }
0x23: {  	[sflag:s15] =	ssyncset.done $0x0  }
0x24: {  	[sflag:s15] =	ssyncadd.s32 $0xFFFFC000  }
0x25: {  	[spmem:s8] =	stream.linear.scatter [tilespmem:s14], [sflag:$0x3], $0x4000, $0x38;
	[tilespmem:$0x1C280] =	vst v63  }
0x26: {  	_ =	swait.ge [sflag:s15], $0x4000  }
0x27: {  	[sflag:s15] =	ssyncset.done $0x0  }
0x28: {  	[sflag:s15] =	ssyncadd.s32 $0xFFFFC000  }
0x29: {  	[spmem:s9] =	stream.linear.scatter [tilespmem:s14], [sflag:$0x3], $0x4000, $0x38;
	[tilespmem:$0x1C280] =	vst v63  }
0x2a: {  	_ =	swait.ge [sflag:s15], $0x4000  }
0x2b: {  	[sflag:s15] =	ssyncset.done $0x0  }
0x2c: {  	[sflag:s15] =	ssyncadd.s32 $0xFFFFC000  }
0x2d: {  	[spmem:s10] =	stream.linear.scatter [tilespmem:s14], [sflag:$0x3], $0x4000, $0x38;
	[tilespmem:$0x1C280] =	vst v63  }
0x2e: {  	_ =	swait.ge [sflag:s15], $0x4000  }
0x2f: {  	[sflag:s15] =	ssyncset.done $0x0  }
0x30: {  	[sflag:s15] =	ssyncadd.s32 $0xFFFFC000  }
0x31: {  	[spmem:s11] =	stream.linear.scatter [tilespmem:s14], [sflag:$0x3], $0x4000, $0x38;
	[tilespmem:$0x1C280] =	vst v63  }
0x32: {  	_ =	swait.ge [sflag:s15], $0x4000  }
0x33: {  	[sflag:s15] =	ssyncset.done $0x0  }
0x34: {  	[sflag:s15] =	ssyncadd.s32 $0xFFFFC000  }
0x35: {  	s30 =	sadd.s32 $0x0, s12;
	[bflag:$0x0] =	sbarrier.arrive $0xFFFF  }
0x36: {  	[tilespmem:s16], [sflag:$0x3] =	stream.linear.gather [hbm4b:s30+s3], $0x80, $0x38;
	[tilespmem:$0x1C280] =	vst v63  }
0x37: {  	_ =	swait.ge [sflag:s15], $0x80  }
0x38: {  	[sflag:s15] =	ssyncset.done $0x0  }
0x39: {  	s28 =	sadd.s32 $0x0, s13;
	[sflag:s15] =	ssyncadd.s32 $0xFFFFFF80  }
0x3a: {  	[tilespmem:s17], [sflag:$0x3] =	stream.linear.gather [hbm4b:s28+s3], $0x80, $0x38;
	[tilespmem:$0x1C280] =	vst v63  }
0x3b: {  	_ =	swait.ge [sflag:s15], $0x80  }
0x3c: {  	[sflag:s15] =	ssyncset.done $0x0  }
0x3d: {  	[sflag:s15] =	ssyncadd.s32 $0xFFFFFF80  }
0x3e: {  	v3 =	vld [tilespmem:$0x14150]  }
0x3f: {  	v4 =	vld [tilespmem:$0x14130]  }
0x40: {  	v5 =	vld [tilespmem:$0x14140]  }
0x41: {  	v7 =	vld [tilespmem:$0x14040]  }
0x42: {  	v8 =	vld [tilespmem:$0x14070]  }
0x43: {  	v10 =	vld [tilespmem:$0x14050]  }
0x44: {  	v6 =	vld [tilespmem:$0x14170]  }
0x45: {  	v9 =	vld [tilespmem:$0x14030]  }
0x46: {  	v11 =	vld [tilespmem:$0x14060]  }
0x47: {  	vm0 =	vge.s32 v7, v0;
	vm1 =	vlt.s32 v7, v1;
	v7 =	vld [tilespmem:$0x14010]  }
0x48: {  	v12 =	vld [tilespmem:$0x14110];
	vm2 =	vlt.s32 v8, v1;
	vm3 =	vge.s32 v10, v0;
	vm0 =	vmand vm0, vm1  }
0x49: {  	vm4 =	vlt.s32 v10, v1;
	vm1 =	vge.s32 v8, v0;
	v8 =	vld [tilespmem:$0x14000];
	v5 =	vnsel vm0, $0x27D8, v5  }
0x4a: {  	v13 =	vld [tilespmem:$0x14020];
	vm0 =	vmand vm1, vm2;
	vm1 =	vlt.s32 v9, v1;
	vm2 =	vge.s32 v9, v0  }
0x4b: {  	vm5 =	vge.s32 v11, v0;
	v9 =	vld [tilespmem:$0x14100];
	vm1 =	vmand vm2, vm1;
	vm2 =	vmand vm3, vm4  }
0x4c: {  	[tilespmem:$0x141C0] =	vst v5;
	v5 =	vld [tilespmem:$0x14160];
	v4 =	vnsel vm1, $0x27D8, v4;
	vm3 =	vlt.s32 v7, v1;
	vm1 =	vge.s32 v7, v0  }
0x4d: {  	vm15 =	vlt.s32 v11, v1;
	v3 =	vnsel vm2, $0x27D8, v3;
	v7 =	vld [tilespmem:$0x14120];
	[tilespmem:$0x141B0] =	vst v4;
	vm1 =	vmand vm1, vm3  }
0x4e: {  	[tilespmem:$0x141D0] =	vst v3;
	vm2 =	vge.s32 v8, v0;
	vm3 =	vlt.s32 v8, v1;
	v3 =	vnsel vm1, $0x27D8, v12  }
0x4f: {  	vm1 =	vge.s32 v13, v0;
	vm2 =	vmand vm2, vm3;
	[tilespmem:$0x14190] =	vst v3;
	v3 =	vnsel vm0, $0x27D8, v6  }
0x50: {  	vm0 =	vlt.s32 v13, v1;
	v4 =	vnsel vm2, $0x27D8, v9;
	vm2 =	vmand vm5, vm15;
	[tilespmem:$0x141F0] =	vst v3  }
0x51: {  	vm0 =	vmand vm1, vm0;
	v3 =	vnsel vm2, $0x27D8, v5;
	[tilespmem:$0x14180] =	vst v4  }
0x52: {  	v4 =	vnsel vm0, $0x27D8, v7;
	[tilespmem:$0x141E0] =	vst v3  }
0x53: {  	[tilespmem:$0x141A0] =	vst v4  }
0x54: {  	[tilespmem:s14], [sflag:$0x1] =	stream.indirect.gather [hbm4b:s4+s18], $0x80, s16, s18, $0xb8;
	[tilespmem:$0x1C280] =	vst v63  }
0x55: {  	s26 =	sadd.s32 $0x10, s30  }
0x56: {  	[tilespmem:s19], [sflag:$0x3] =	stream.linear.gather [hbm4b:s26+s3], $0x80, $0x38;
	[tilespmem:$0x1C280] =	vst v63  }
0x57: {  	_ =	swait.ge [sflag:s15], $0x80  }
0x58: {  	[sflag:s15] =	ssyncset.done $0x0  }
0x59: {  	s31 =	sadd.s32 $0x10, s28;
	[sflag:s15] =	ssyncadd.s32 $0xFFFFFF80  }
0x5a: {  	[tilespmem:s17], [sflag:$0x3] =	stream.linear.gather [hbm4b:s31+s3], $0x80, $0x38;
	[tilespmem:$0x1C280] =	vst v63  }
0x5b: {  	_ =	swait.ge [sflag:s15], $0x80  }
0x5c: {  	[sflag:s15] =	ssyncset.done $0x0  }
0x5d: {  	[sflag:s15] =	ssyncadd.s32 $0xFFFFFF80  }
0x5e: {  	v6 =	vld [tilespmem:$0x14080]  }
0x5f: {  	v4 =	vld [tilespmem:$0x14110]  }
0x60: {  	v10 =	vld [tilespmem:$0x140E0]  }
0x61: {  	v3 =	vld [tilespmem:$0x14130]  }
0x62: {  	v5 =	vld [tilespmem:$0x140C0]  }
0x63: {  	v7 =	vld [tilespmem:$0x140B0]  }
0x64: {  	v9 =	vld [tilespmem:$0x140A0]  }
0x65: {  	s26 =	simm.s32 $0x20;
	v8 =	vld [tilespmem:$0x14090];
	vm0 =	vge.s32 v10, v0;
	vm1 =	vlt.s32 v10, v1  }
.LBB2_4:
0x66: {  	p0 =	sne.s32 s26, $0x9E0;
	v10 =	vld [tilespmem:$0x14120];
	s29 =	smov.u32 s26;
	s26 =	sadd.s32 $0x20, s26  }
0x67: {  	v11 =	vld [tilespmem:$0x14100];
	vm2 =	vlt.s32 v5, v1  }
0x68: {  	vm5 =	vge.s32 v5, v0;
	vm3 =	vge.s32 v7, v0;
	vm4 =	vlt.s32 v7, v1;
	v5 =	vld [tilespmem:$0x140D0]  }
0x69: {  	vm6 =	vge.s32 v9, v0;
	vm7 =	vlt.s32 v9, v1;
	vm3 =	vmand vm3, vm4;
	v7 =	vld [tilespmem:$0x14140]  }
0x6a: {  	vm8 =	vlt.s32 v6, v1;
	vm4 =	vge.s32 v6, v0;
	vm9 =	vge.s32 v8, v0;
	v6 =	vld [tilespmem:$0x14150]  }
0x6b: {  	vm4 =	vmand vm4, vm8;
	vm8 =	vlt.s32 v8, v1;
	vm6 =	vmand vm6, vm7;
	v8 =	vld [tilespmem:$0x140F0]  }
0x6c: {  	v10 =	vnsel vm6, $0x27D8, v10;
	v9 =	vnsel vm4, $0x27D8, v11;
	vm4 =	vmand vm9, vm8;
	v11 =	vld [tilespmem:$0x14160]  }
0x6d: {  	vm2 =	vmand vm5, vm2;
	[tilespmem:$0x14220] =	vst v10;
	vm5 =	vge.s32 v5, v0;
	vm6 =	vlt.s32 v5, v1;
	v5 =	vld [tilespmem:$0x14170]  }
0x6e: {  	v4 =	vnsel vm4, $0x27D8, v4;
	v7 =	vnsel vm2, $0x27D8, v7;
	vm2 =	vmand vm5, vm6  }
0x6f: {  	v3 =	vnsel vm3, $0x27D8, v3;
	[tilespmem:$0x14200] =	vst v9;
	v6 =	vnsel vm2, $0x27D8, v6  }
0x70: {  	vm0 =	vmand vm0, vm1;
	[tilespmem:$0x14250] =	vst v6;
	vm1 =	vge.s32 v8, v0;
	vm2 =	vlt.s32 v8, v1  }
0x71: {  	[tilespmem:$0x14210] =	vst v4;
	v4 =	vnsel vm0, $0x27D8, v11;
	vm0 =	vmand vm1, vm2  }
0x72: {  	[tilespmem:$0x14260] =	vst v4;
	v4 =	vnsel vm0, $0x27D8, v5  }
0x73: {  	[tilespmem:$0x14270] =	vst v4  }
0x74: {  	[tilespmem:$0x14230] =	vst v3  }
0x75: {  	[tilespmem:$0x14240] =	vst v7  }
0x76: {  	[tilespmem:s20], [sflag:$0x2] =	stream.indirect.gather [hbm4b:s4+s18], $0x80, s19, s18, $0xb8;
	[tilespmem:$0x1C280] =	vst v63  }
0x77: {  	_ =	swait.ge [sflag:s21], $0x4000  }
0x78: {  	[sflag:s21] =	ssyncset.done $0x0  }
0x79: {  	[sflag:s21] =	ssyncadd.s32 $0xFFFFC000  }
0x7a: {  	[spmem:s2] =	stream.indirect.scatter.add.f32 [tilespmem:s14], [sflag:$0x3], $0x80, s22, s18, $0xb8;
	[tilespmem:$0x1C280] =	vst v63  }
0x7b: {  	_ =	swait.ge [sflag:s15], $0x4000  }
0x7c: {  	[sflag:s15] =	ssyncset.done $0x0  }
0x7d: {  	[sflag:s15] =	ssyncadd.s32 $0xFFFFC000  }
0x7e: {  	_ =	swait.ge [sflag:s23], $0x4000  }
0x7f: {  	[sflag:s23] =	ssyncset.done $0x0  }
0x80: {  	[sflag:s23] =	ssyncadd.s32 $0xFFFFC000  }
0x81: {  	[spmem:s2] =	stream.indirect.scatter.add.f32 [tilespmem:s20], [sflag:$0x3], $0x80, s24, s18, $0xb8;
	[tilespmem:$0x1C280] =	vst v63  }
0x82: {  	_ =	swait.ge [sflag:s15], $0x4000  }
0x83: {  	[sflag:s15] =	ssyncset.done $0x0  }
0x84: {  	s28 =	sadd.s32 s29, s12;
	[sflag:s15] =	ssyncadd.s32 $0xFFFFC000  }
0x85: {  	[tilespmem:s16], [sflag:$0x3] =	stream.linear.gather [hbm4b:s28+s3], $0x80, $0x38;
	[tilespmem:$0x1C280] =	vst v63  }
0x86: {  	_ =	swait.ge [sflag:s15], $0x80  }
0x87: {  	[sflag:s15] =	ssyncset.done $0x0  }
0x88: {  	s29 =	sadd.s32 s29, s13;
	[sflag:s15] =	ssyncadd.s32 $0xFFFFFF80  }
0x89: {  	[tilespmem:s17], [sflag:$0x3] =	stream.linear.gather [hbm4b:s29+s3], $0x80, $0x38;
	[tilespmem:$0x1C280] =	vst v63  }
0x8a: {  	_ =	swait.ge [sflag:s15], $0x80  }
0x8b: {  	[sflag:s15] =	ssyncset.done $0x0  }
0x8c: {  	[sflag:s15] =	ssyncadd.s32 $0xFFFFFF80  }
0x8d: {  	v3 =	vld [tilespmem:$0x14150]  }
0x8e: {  	v4 =	vld [tilespmem:$0x14130]  }
0x8f: {  	v5 =	vld [tilespmem:$0x14140]  }
0x90: {  	v6 =	vld [tilespmem:$0x14170]  }
0x91: {  	v7 =	vld [tilespmem:$0x14040]  }
0x92: {  	v8 =	vld [tilespmem:$0x14070]  }
0x93: {  	v9 =	vld [tilespmem:$0x14030]  }
0x94: {  	v10 =	vld [tilespmem:$0x14060]  }
0x95: {  	v11 =	vld [tilespmem:$0x14050]  }
0x96: {  	v12 =	vld [tilespmem:$0x14020];
	vm0 =	vge.s32 v7, v0;
	vm1 =	vlt.s32 v7, v1  }
0x97: {  	v7 =	vld [tilespmem:$0x14010];
	vm0 =	vmand vm0, vm1;
	vm1 =	vge.s32 v8, v0;
	vm2 =	vlt.s32 v8, v1  }
0x98: {  	v8 =	vld [tilespmem:$0x14000];
	v5 =	vnsel vm0, $0x27D8, v5;
	vm0 =	vmand vm1, vm2  }
0x99: {  	vm3 =	vlt.s32 v9, v1;
	v13 =	vld [tilespmem:$0x14110];
	[tilespmem:$0x141C0] =	vst v5;
	vm1 =	vge.s32 v10, v0;
	vm2 =	vlt.s32 v10, v1  }
0x9a: {  	vm4 =	vge.s32 v9, v0;
	v5 =	vld [tilespmem:$0x14100];
	vm5 =	vge.s32 v11, v0;
	vm6 =	vlt.s32 v11, v1  }
0x9b: {  	vm3 =	vmand vm4, vm3;
	v9 =	vld [tilespmem:$0x14120];
	vm7 =	vge.s32 v12, v0;
	vm4 =	vmand vm5, vm6  }
0x9c: {  	v4 =	vnsel vm3, $0x27D8, v4;
	vm5 =	vlt.s32 v7, v1;
	v3 =	vnsel vm4, $0x27D8, v3;
	v10 =	vld [tilespmem:$0x14160]  }
0x9d: {  	vm6 =	vge.s32 v7, v0;
	vm3 =	vge.s32 v8, v0;
	vm4 =	vlt.s32 v8, v1;
	[tilespmem:$0x141B0] =	vst v4  }
0x9e: {  	vm3 =	vmand vm3, vm4;
	vm4 =	vmand vm6, vm5;
	vm5 =	vlt.s32 v12, v1;
	[tilespmem:$0x141D0] =	vst v3  }
0x9f: {  	v3 =	vnsel vm3, $0x27D8, v5;
	v4 =	vnsel vm4, $0x27D8, v13;
	vm3 =	vmand vm7, vm5  }
0xa0: {  	vm1 =	vmand vm1, vm2;
	v5 =	vnsel vm0, $0x27D8, v6;
	[tilespmem:$0x14190] =	vst v4;
	v4 =	vnsel vm3, $0x27D8, v9  }
0xa1: {  	v6 =	vnsel vm1, $0x27D8, v10;
	[tilespmem:$0x141F0] =	vst v5  }
0xa2: {  	[tilespmem:$0x14180] =	vst v3  }
0xa3: {  	[tilespmem:$0x141E0] =	vst v6  }
0xa4: {  	[tilespmem:$0x141A0] =	vst v4  }
0xa5: {  	[tilespmem:s14], [sflag:$0x1] =	stream.indirect.gather [hbm4b:s4+s18], $0x80, s16, s18, $0xb8;
	[tilespmem:$0x1C280] =	vst v63  }
0xa6: {  	s28 =	sadd.s32 $0x10, s28  }
0xa7: {  	[tilespmem:s19], [sflag:$0x3] =	stream.linear.gather [hbm4b:s28+s3], $0x80, $0x38;
	[tilespmem:$0x1C280] =	vst v63  }
0xa8: {  	_ =	swait.ge [sflag:s15], $0x80  }
0xa9: {  	[sflag:s15] =	ssyncset.done $0x0  }
0xaa: {  	s28 =	sadd.s32 $0x10, s29;
	[sflag:s15] =	ssyncadd.s32 $0xFFFFFF80  }
0xab: {  	[tilespmem:s17], [sflag:$0x3] =	stream.linear.gather [hbm4b:s28+s3], $0x80, $0x38;
	[tilespmem:$0x1C280] =	vst v63  }
0xac: {  	_ =	swait.ge [sflag:s15], $0x80  }
0xad: {  	[sflag:s15] =	ssyncset.done $0x0  }
0xae: {  	[sflag:s15] =	ssyncadd.s32 $0xFFFFFF80  }
0xaf: {  	v6 =	vld [tilespmem:$0x14080]  }
0xb0: {  	v4 =	vld [tilespmem:$0x14110]  }
0xb1: {  	v10 =	vld [tilespmem:$0x140E0]  }
.Ltmp1:
0xb2: {  	v3 =	vld [tilespmem:$0x14130];
	(pc) =	sbr.rel @p0 .LBB2_4-.Ltmp1, $4  }
0xb3: {  	v5 =	vld [tilespmem:$0x140C0]  }
0xb4: {  	v7 =	vld [tilespmem:$0x140B0]  }
0xb5: {  	v9 =	vld [tilespmem:$0x140A0]  }
0xb6: {  	v8 =	vld [tilespmem:$0x14090];
	vm0 =	vge.s32 v10, v0;
	vm1 =	vlt.s32 v10, v1  }
0xb7: {  	v10 =	vld [tilespmem:$0x14120]  }
0xb8: {  	v11 =	vld [tilespmem:$0x140D0]  }
0xb9: {  	v12 =	vld [tilespmem:$0x14100]  }
0xba: {  	v56 =	vld [tilespmem:$0x140F0]  }
0xbb: {  	vm5 =	vge.s32 v6, v0;
	vm6 =	vlt.s32 v6, v1;
	v57 =	vld [tilespmem:$0x14160];
	vm0 =	vmand vm0, vm1  }
0xbc: {  	vm2 =	vlt.s32 v5, v1;
	vm3 =	vge.s32 v9, v0;
	vm4 =	vlt.s32 v9, v1  }
0xbd: {  	v55 =	vld [tilespmem:$0x14150];
	vm5 =	vmand vm5, vm6;
	vm8 =	vge.s32 v7, v0;
	vm3 =	vmand vm3, vm4  }
0xbe: {  	v58 =	vld [tilespmem:$0x14170];
	vm7 =	vge.s32 v8, v0;
	vm12 =	vlt.s32 v8, v1;
	v10 =	vnsel vm3, $0x27D8, v10  }
0xbf: {  	vm13 =	vge.s32 v11, v0;
	vm14 =	vlt.s32 v11, v1;
	v59 =	vnsel vm5, $0x27D8, v12;
	[tilespmem:$0x14220] =	vst v10  }
0xc0: {  	v60 =	vld [tilespmem:$0x14140];
	vm15 =	vmand vm7, vm12;
	vm9 =	vge.s32 v56, v0;
	v61 =	vnsel vm0, $0x27D8, v57;
	[tilespmem:$0x14200] =	vst v59  }
0xc1: {  	vm10 =	vlt.s32 v56, v1;
	vm3 =	vmand vm13, vm14;
	v4 =	vnsel vm15, $0x27D8, v4;
	[tilespmem:$0x14260] =	vst v61  }
0xc2: {  	vm11 =	vlt.s32 v7, v1;
	vm12 =	vmand vm9, vm10;
	v9 =	vnsel vm3, $0x27D8, v55;
	[tilespmem:$0x14210] =	vst v4  }
0xc3: {  	vm13 =	vge.s32 v5, v0;
	vm14 =	vmand vm8, vm11;
	v62 =	vnsel vm12, $0x27D8, v58;
	[tilespmem:$0x14250] =	vst v9  }
0xc4: {  	vm15 =	vmand vm13, vm2;
	v3 =	vnsel vm14, $0x27D8, v3;
	[tilespmem:$0x14270] =	vst v62  }
0xc5: {  	v63 =	vnsel vm15, $0x27D8, v60;
	[tilespmem:$0x14230] =	vst v3  }
0xc6: {  	[tilespmem:$0x14240] =	vst v63  }
0xc7: {  	[tilespmem:s20], [sflag:$0x2] =	stream.indirect.gather [hbm4b:s4+s18], $0x80, s19, s18, $0xb8;
	[tilespmem:$0x1C280] =	vst v63  }
0xc8: {  	_ =	swait.ge [sflag:s21], $0x4000  }
0xc9: {  	[sflag:s21] =	ssyncset.done $0x0  }
0xca: {  	[sflag:s21] =	ssyncadd.s32 $0xFFFFC000  }
0xcb: {  	[spmem:s2] =	stream.indirect.scatter.add.f32 [tilespmem:s14], [sflag:$0x3], $0x80, s22, s18, $0xb8;
	[tilespmem:$0x1C280] =	vst v63  }
0xcc: {  	_ =	swait.ge [sflag:s15], $0x4000  }
0xcd: {  	[sflag:s15] =	ssyncset.done $0x0  }
0xce: {  	[sflag:s15] =	ssyncadd.s32 $0xFFFFC000  }
0xcf: {  	_ =	swait.ge [sflag:s23], $0x4000  }
0xd0: {  	[sflag:s23] =	ssyncset.done $0x0  }
0xd1: {  	[sflag:s23] =	ssyncadd.s32 $0xFFFFC000  }
0xd2: {  	[spmem:s2] =	stream.indirect.scatter.add.f32 [tilespmem:s20], [sflag:$0x3], $0x80, s24, s18, $0xb8;
	[tilespmem:$0x1C280] =	vst v63  }
0xd3: {  	_ =	swait.ge [sflag:s15], $0x4000  }
0xd4: {  	s26 =	sshll.u32 s0, $0x6;
	s25 =	sadd.s32 $0x1, s25;
	[sflag:s15] =	ssyncset.done $0x0  }
0xd5: {  	s28 =	sshrl.u32 s5, $0x3;
	p0 =	sne.s32 s25, s7;
	[sflag:s15] =	ssyncadd.s32 $0xFFFFC000  }
.Ltmp2:
0xd6: {  	s26 =	sor.u32 $0x1C03, s26;
	[bflag:$0x0] =	sbarrier.arrive $0xFFFF;
	(pc) =	sbr.rel @p0 .LBB2_1-.Ltmp2, $4  }
0xd7: {  	[hbm:s6], [sflag:s26] =	dma.local [spmem:s28], $0x2800  }
0xd8: {  	_ =	swait.ge [sflag:s15], $0x2800  }
0xd9: {  	[sflag:s15] =	ssyncset.done $0x0  }
0xda: {  	[sflag:s15] =	ssyncadd.s32 $0xFFFFD800  }
0xdb: {  	_ =	sfence.sel $0x180000  }
0xdc: {  	[bflag:$0x0] =	sbarrier.arrive $0xFFFF  }
0xdd: {  	p0 =	sne.s32 s0, $0x0;
	_ =	strace $0x9000004A  }
0xde: {  	s0 =	sadd.s32 @!p0 $0x100000, s1;
	[bflag:$0x2] =	sbarrier.arrive $0xFFFF  }
0xdf: {  	[sflag:s0] =	ssyncadd.tile.s32 @!p0 $0x1;
	_ =	shalt  }
.Lfunc_end2:
_tile_overlayer_lowered:
.L_overlay_start_2:
0xe0: {  	(tag) =	ssettag $0x2  }
0xe1: {  	s0 =	rddreg [dreg:$0x0];
	s2 =	stileid.u32  }
0xe2: {  	s1 =	rddreg [dreg:$0x1];
	p0 =	sne.s32 s2, $0x0  }
0xe3: {  	s3 =	rddreg [dreg:$0x2];
	[bflag:$0x3] =	sbarrier.arrive $0xFFFF;
	s2 =	simm.s32 @!p0 $0x1C03  }
0xe4: {  	[timem:s3], [sflag:s2] =	dma.local @!p0 [hbm:s0], s1  }
0xe5: {  	s0 =	simm.s32 @!p0 $0x3  }
0xe6: {  	_ =	swait.ge @!p0 [sflag:s0], s1  }
0xe7: {  	s1 =	ssub.s32 @!p0 $0x0, s1;
	[sflag:s0] =	ssyncset.done @!p0 $0x0  }
0xe8: {  	[sflag:s0] =	ssyncadd.s32 @!p0 s1  }
0xe9: {  	[bflag:$0x3] =	sbarrier.arrive $0xFFFF  }
0xea: {  	_ =	shalt  }

// kernel: kernel.8.cloned.1.call-start
scs
__scs_entry_jumppad:
0x0: {  	(pc) =	sbr.rel $0x88, $3  }
0x1: {  	(tag) =	ssettag $0x0;
	lr =	simm.s32 $0x1  }
0x2: {  	[smem:$0x3F93] =	sst lr;
	_ =	strace $0xD0000000  }
0x3: {  	_ = 	snop  }
0x4: {  	_ = 	snop  }
0x5: {  	_ = 	snop  }
0x6: {  	_ = 	snop  }
0x7: {  	_ = 	snop  }
__scs_overlays_trampoline_lowered:
0x8: {  	[smem:$0x3FA2] =	sst s0  }
0x9: {  	[smem:$0x3FA3] =	sst s1  }
0xa: {  	[smem:$0x3FA4] =	sst s2  }
0xb: {  	[smem:$0x3FA5] =	sst s3  }
0xc: {  	[smem:$0x3FA6] =	sst s4  }
0xd: {  	[smem:$0x3FA7] =	sst s5  }
0xe: {  	[smem:$0x3FA8] =	sst s6  }
0xf: {  	[smem:$0x3FA9] =	sst s7  }
0x10: {  	[smem:$0x3FAA] =	sst s8  }
0x11: {  	[smem:$0x3FAB] =	sst s9;
	s0 =	simm.s32 @!p0 $0x0  }
0x12: {  	s1 =	sld [smem:$0x3F91];
	s0 =	simm.s32 @p0 $0x1  }
0x13: {  	[smem:$0x3FAC] =	sst s0;
	s0 =	simm.s32 @!p1 $0x0  }
0x14: {  	s2 =	sld [smem:$0x3F90];
	s0 =	simm.s32 @p1 $0x1  }
0x15: {  	[smem:$0x3FAD] =	sst s0;
	s0 =	simm.s32 @!p2 $0x0  }
0x16: {  	s3 =	sld [smem:$0x3FDB];
	s0 =	simm.s32 @p2 $0x1  }
0x17: {  	s4 =	simm.s32 $0x1BF5;
	[smem:$0x3FAF] =	sst s0  }
0x18: {  	s0 =	sld [smem:$0x3F92];
	_ =	swait.ge [sflag:s4], $0x0  }
0x19: {  	s7 =	sld [smem:$0x3F93]  }
0x1a: {  	s8 =	sadd.s32 $0xFFFFE003, lr  }
0x1b: {  	s9 =	sadd.s32 $0xFFFFFEF7, lr;
	s5 =	simm.s32 $0xFFFFFFFF;
	p2 =	slt.u32 s8, $0xFFFFF086  }
0x1c: {  	p1 =	slt.u32 s9, $0xF7A;
	s5 =	simm.s32 @!p2 $0x0  }
0x1d: {  	s5 =	simm.s32 @p1 $0x1;
	p0 =	seq.s32 s7, s2  }
0x1e: {  	s7 =	smul.u32 @!p0 $0xF7A, s2;
	p2 =	seq.s32 @!p0 s5, $0x0  }
0x1f: {  	s9 =	smul.u32 $0xF7A, s1;
	s8 =	simm.s32 @!p0 $0x1BF5;
	p2 =	por !p2, p0  }
0x20: {  	[sflag:s8] =	ssyncset.s32 @!p0 $0xFFFFF086;
	s6 =	sadd.s32 @!p0 s3, s7;
	s7 =	simm.s32 @!p0 $0x108  }
0x21: {  	s3 =	sadd.s32 s3, s9;
	s6 =	sadd.s32 @!p0 $0x88, s6;
	s7 =	simm.s32 @p2 $0x1082  }
0x22: {  	[simem:s7], [sflag:s8] =	dma.local @!p0 [hbm:s6], $0xF7A  }
0x23: {  	s9 =	sor.u32 $0xD0000000, s2;
	s6 =	simm.s32 $0x108;
	_ =	swait.ge @!p0 [sflag:s8], $0x0  }
0x24: {  	s3 =	sadd.s32 $0x88, s3;
	s6 =	simm.s32 @!p1 $0x1082;
	[sflag:s4] =	ssyncset.s32 $0xFFFFF086  }
0x25: {  	[simem:s6], [sflag:s4] =	dma.local [hbm:s3], $0xF7A  }
0x26: {  	[smem:$0x3F93] =	sst s1;
	(tag) =	ssettag s2;
	_ =	strace s9  }
0x27: {  	s1 =	sld [smem:$0x3FA3]  }
0x28: {  	s2 =	sld [smem:$0x3FA4]  }
0x29: {  	s4 =	sld [smem:$0x3FA6]  }
0x2a: {  	p0 =	seq.s32 s5, $0x0;
	s5 =	sld [smem:$0x3FA7]  }
0x2b: {  	s6 =	sld [smem:$0x3FA8]  }
0x2c: {  	s7 =	sld [smem:$0x3FA9]  }
0x2d: {  	s3 =	simm.s32 $0x108;
	s8 =	sld [smem:$0x3FAA]  }
0x2e: {  	s3 =	simm.s32 @!p0 $0x1082;
	s9 =	sld [smem:$0x3FAB]  }
0x2f: {  	lr =	sadd.s32 s0, s3;
	s0 =	sld [smem:$0x3FA2]  }
0x30: {  	s3 =	sld [smem:$0x3FA5]  }
0x31: {  	[smem:$0x3FAE] =	sst s10  }
0x32: {  	s10 =	sld [smem:$0x3FAC];
	_ =	sdelay $0x3  }
0x33: {  	p0 =	seq.s32 s10, $0x1;
	s10 =	sld [smem:$0x3FAE];
	_ =	sdelay $0x3  }
0x34: {  	[smem:$0x3FAE] =	sst s10  }
0x35: {  	s10 =	sld [smem:$0x3FAD];
	_ =	sdelay $0x3  }
0x36: {  	p1 =	seq.s32 s10, $0x1;
	s10 =	sld [smem:$0x3FAE];
	_ =	sdelay $0x3  }
0x37: {  	[smem:$0x3FAE] =	sst s10  }
0x38: {  	s10 =	sld [smem:$0x3FAF]  }
0x39: {  	_ = 	snop;
	(pc) =	sbr.ind lr, $3  }
0x3a: {  	_ = 	snop  }
0x3b: {  	_ = 	snop  }
0x3c: {  	p2 =	seq.s32 s10, $0x1;
	s10 =	sld [smem:$0x3FAE]  }
0x3d: {  	_ =	shalt  }
0x3e: {  	_ =	shalt  }
0x3f: {  	_ =	shalt  }
0x40: {  	_ =	shalt  }
0x41: {  	_ =	shalt  }
0x42: {  	_ =	shalt  }
0x43: {  	_ =	shalt  }
0x44: {  	_ =	shalt  }
0x45: {  	_ =	shalt  }
0x46: {  	_ =	shalt  }
0x47: {  	_ =	shalt  }
0x48: {  	_ =	shalt  }
0x49: {  	_ =	shalt  }
0x4a: {  	_ =	shalt  }
0x4b: {  	_ =	shalt  }
0x4c: {  	_ =	shalt  }
0x4d: {  	_ =	shalt  }
0x4e: {  	_ =	shalt  }
0x4f: {  	_ =	shalt  }
0x50: {  	_ =	shalt  }
0x51: {  	_ =	shalt  }
0x52: {  	_ =	shalt  }
0x53: {  	_ =	shalt  }
0x54: {  	_ =	shalt  }
0x55: {  	_ =	shalt  }
0x56: {  	_ =	shalt  }
0x57: {  	_ =	shalt  }
0x58: {  	_ =	shalt  }
0x59: {  	_ =	shalt  }
0x5a: {  	_ =	shalt  }
0x5b: {  	_ =	shalt  }
0x5c: {  	_ =	shalt  }
0x5d: {  	_ =	shalt  }
0x5e: {  	_ =	shalt  }
0x5f: {  	_ =	shalt  }
0x60: {  	_ =	shalt  }
0x61: {  	_ =	shalt  }
0x62: {  	_ =	shalt  }
0x63: {  	_ =	shalt  }
0x64: {  	_ =	shalt  }
0x65: {  	_ =	shalt  }
0x66: {  	_ =	shalt  }
0x67: {  	_ =	shalt  }
0x68: {  	_ =	shalt  }
0x69: {  	_ =	shalt  }
0x6a: {  	_ =	shalt  }
0x6b: {  	_ =	shalt  }
0x6c: {  	_ =	shalt  }
0x6d: {  	_ =	shalt  }
0x6e: {  	_ =	shalt  }
0x6f: {  	_ =	shalt  }
0x70: {  	_ =	shalt  }
0x71: {  	_ =	shalt  }
0x72: {  	_ =	shalt  }
0x73: {  	_ =	shalt  }
0x74: {  	_ =	shalt  }
0x75: {  	_ =	shalt  }
0x76: {  	_ =	shalt  }
0x77: {  	_ =	shalt  }
0x78: {  	_ =	shalt  }
0x79: {  	_ =	shalt  }
0x7a: {  	_ =	shalt  }
0x7b: {  	_ =	shalt  }
0x7c: {  	_ =	shalt  }
0x7d: {  	_ =	shalt  }
0x7e: {  	_ =	shalt  }
0x7f: {  	_ =	shalt  }
0x80: {  	_ =	shalt  }
0x81: {  	_ =	shalt  }
0x82: {  	_ =	shalt  }
0x83: {  	_ =	shalt  }
0x84: {  	_ =	shalt  }
0x85: {  	_ =	shalt  }
0x86: {  	_ =	shalt  }
0x87: {  	_ =	shalt  }
.Lfunc_end0:
.L_simem_size_0:
called_computation.1_lowered:
.L_overlay_start_0:
0x88: {  	s2 =	sld [smem:$0x3FD9]  }
0x89: {  	s3 =	sld [smem:$0x3FFE];
	_ =	sdelay $0x1  }
0x8a: {  	s1 =	srdreg.scid  }
0x8b: {  	s0 =	sand.u32 $0x1, s1  }
0x8c: {  	s17 =	sshll.u32 s0, $0xA;
	s2 =	sadd.s32 s3, s2  }
0x8d: {  	s2 =	sadd.s32 s2, s17  }
0x8e: {  	[smem:$0x3FBA] =	sst s2  }
0x8f: {  	_ = 	snop  }
0x90: {  	s2 =	sld [smem:$0x3FD0];
	(tm) =	ssettm $0x1  }
0x91: {  	s18 =	sld [smem:$0x3FFB];
	_ =	sdelay $0x3  }
0x92: {  	_ =	strace s18  }
0x93: {  	s3 =	sld [smem:$0x3FFC];
	_ =	sdelay $0x3  }
0x94: {  	_ =	strace s3  }
0x95: {  	s3 =	sld [smem:$0x3FFD];
	_ =	sdelay $0x3  }
0x96: {  	_ =	strace s3  }
0x97: {  	_ =	strace $0x8FFFFFFF  }
0x98: {  	s19 =	sld [smem:$0x3FDB];
	_ =	sdelay $0x1  }
0x99: {  	s4 =	simm.s32 $_scs_section_size  }
0x9a: {  	s5 =	simm.s32 $_size__tile_overlayer_lowered;
	s6 =	simm.s32 $_tile_overlayer_lowered  }
0x9b: {  	s22 =	simm.s32 $0x1BFF;
	s21 =	sshll.u32 s6, $0x1;
	s3 =	sadd.s32 s4, s19  }
0x9c: {  	s7 =	simm.s32 $0x0;
	s20 =	sshll.u32 s5, $0x1;
	s5 =	sadd.s32 s21, s3  }
0x9d: {  	[timem:s7], [sflag:s22] =	dma.local [hbm:s5], s20  }
0x9e: {  	_ =	swait.ge [sflag:s22], s20  }
0x9f: {  	s4 =	ssub.s32 $0x0, s20;
	[sflag:s22] =	ssyncset.done $0x0  }
0xa0: {  	[sflag:s22] =	ssyncadd.s32 s4;
	_ =	sdelay $0x1  }
0xa1: {  	s23 =	simm.s32 $0x1B8B  }
0xa2: {  	_ =	swait.ge [sflag:s23], $0x1  }
0xa3: {  	[sflag:s23] =	ssyncset.done $0x0  }
0xa4: {  	s25 =	simm.s32 $0x1B8E;
	s24 =	sld [smem:$0x3FFE];
	[sflag:s23] =	ssyncadd.s32 $0xFFFFFFFF  }
0xa5: {  	s26 =	simm.s32 $execute0_lowered;
	[smem:$0x3FD2] =	sst s25  }
0xa6: {  	s5 =	sshll.u32 s26, $0x1;
	_ =	strace $0x80000046;
	[dreg:$0x1] =	wrdreg $0xFFFFFFFF  }
0xa7: {  	s28 =	simm.s32 $_size_execute0_lowered;
	s3 =	sadd.s32 s3, s5;
	[dreg:$0x0] =	wrdreg $0x0  }
0xa8: {  	s5 =	sshll.u32 s28, $0x1;
	[dreg:$0x2] =	wrdreg s3  }
0xa9: {  	[dreg:$0x3] =	wrdreg s5  }
0xaa: {  	[dreg:$0x4] =	wrdreg $0xC0  }
0xab: {  	_ =	task [dreg:s7], $0x5FFFF  }
0xac: {  	[dreg:$0x1] =	wrdreg $0xFFFFFFFF  }
0xad: {  	[dreg:$0x0] =	wrdreg $0x60  }
0xae: {  	[dreg:$0x2] =	wrdreg s24  }
0xaf: {  	[dreg:$0x3] =	wrdreg s2  }
0xb0: {  	[dreg:$0x4] =	wrdreg $0x0  }
0xb1: {  	[dreg:$0x5] =	wrdreg $0xA  }
0xb2: {  	_ =	task.clear_ibuf [dreg:s7], $0x6FFFF;
	_ =	strace $0x90000046  }
0xb3: {  	s29 =	simm.s32 $0xA;
	_ =	strace $0x80000048  }
0xb4: {  	_ =	swait.ge [sflag:s29], $0x1  }
0xb5: {  	[sflag:s29] =	ssyncadd.s32 $0xFFFFFFFF  }
0xb6: {  	_ =	strace $0x90000048  }
0xb7: {  	_ =	sfence  }
0xb8: {  	s30 =	sld [smem:$0x0];
	_ =	sdelay $0x2  }
0xb9: {  	s31 =	sshll.u32 s1, $0xD;
	s1 =	sshrl.u32 s1, $0x2  }
0xba: {  	s3 =	sand.u32 $0x4000, s31;
	s1 =	sadd.s32 s1, s30  }
0xbb: {  	s0 =	sor.u32 s3, s0;
	s1 =	sshll.u32 s1, $0x11  }
0xbc: {  	s0 =	sor.u32 s1, s0  }
0xbd: {  	s0 =	sadd.s32 $0x8F2B, s0  }
0xbe: {  	[sflag:s0] =	ssyncadd.remote.s32 $0x1  }
0xbf: {  	_ =	sfence.sel $0xFFFF  }
0xc0: {  	[dreg:$0x0] =	wrdreg $0xFFFFFFFF;
	(pc) =	sbr.abs _section_cstart, $3  }
0xc1: {  	[dreg:$0x1] =	wrdreg $0xFFFFFFFF  }
0xc2: {  	_ =	task.clear_ibuf [dreg:s7], $0x2FFFF;
	_ =	strace $0x9FFFFFFF  }
0xc3: {  	(tm) =	ssettm $0x7FFFFFFF  }
tec
execute0_lowered:
.L_overlay_start_1:
0x0: {  	(tag) =	ssettag $0x1  }
0x1: {  	s4 =	rddreg [dreg:$0x0]  }
0x2: {  	s6 =	rddreg [dreg:$0x1]  }
0x3: {  	s2 =	rddreg [dreg:$0x2]  }
0x4: {  	s0 =	rddreg [dreg:$0x3]  }
0x5: {  	s3 =	simm.s32 $0x0;
	s1 =	stileid.u32;
	s7 =	srdreg.scid  }
0x6: {  	s12 =	simm.s32 $0xA000;
	s13 =	simm.s32 $0xA080;
	s14 =	simm.s32 $0x1  }
0x7: {  	s15 =	simm.s32 $0x80;
	s17 =	simm.s32 $0x2;
	s5 =	smul.u32 $0xA00, s1  }
0x8: {  	s20 =	simm.s32 $0x0;
	[smem:$0x7FF] =	sst s3;
	s8 =	smul.u32 $0x28000, s1  }
0x9: {  	s7 =	sand.u32 $0x1, s7;
	s9 =	smul.u32 $0x1400, s1;
	s19 =	sshll.u32 s1, $0x6  }
0xa: {  	_ =	strace $0x80000047;
	s28 =	ssub.s32 $0x2, s7;
	s29 =	smul.u32 $0x14000, s7  }
0xb: {  	s16 =	smul.u32 $0x1388, s7;
	s11 =	sshrl.u32 s28, $0x1;
	s8 =	sshrl.u32 s8, $0x2  }
0xc: {  	s10 =	sadd.s32 s5, s4;
	s30 =	ssub.s32 s28, s11;
	s4 =	sadd.s32 s8, s2  }
0xd: {  	s31 =	sadd.s32 s9, s29;
	s18 =	sadd.s32 $0x1388, s16;
	s9 =	sadd.s32 $0x2800, s10  }
0xe: {  	s10 =	simm.s32 $0xA180;
	s11 =	simm.s32 $0x3;
	v0 =	vmov s16;
	s16 =	simm.s32 $0xA100  }
0xf: {  	s5 =	sadd.s32 $0x8000, s4;
	s6 =	sadd.s32 s6, s31;
	s7 =	smax.u32 s30, $0x1  }
0x10: {  	v2 =	vimm.f32 $0.0e+00;
	v3 =	vimm.f32 $1.000000000e+00;
	s8 =	sadd.s32 $0x4000, s4;
	v1 =	vmov s18;
	s18 =	sor.u32 $0x1C03, s19;
	s19 =	sshrl.u32 s4, $0x3  }
.LBB2_1:
0x11: {  	s21 =	simm.s32 $0x0;
	s22 =	simm.s32 $0x200  }
.LBB2_2:
0x12: {  	p0 =	sne.s32 s22, $0xFE00;
	[tilespmem:s21+$0xA1F0] =	vst v2  }
0x13: {  	[tilespmem:s21+$0xA180] =	vst v2  }
0x14: {  	[tilespmem:s21+$0xA190] =	vst v2  }
.Ltmp0:
0x15: {  	[tilespmem:s21+$0xA1A0] =	vst v2;
	(pc) =	sbr.rel @p0 .LBB2_2-.Ltmp0, $4  }
0x16: {  	[tilespmem:s21+$0xA1B0] =	vst v2  }
0x17: {  	[tilespmem:s21+$0xA1C0] =	vst v2  }
0x18: {  	[tilespmem:s21+$0xA1D0] =	vst v2  }
0x19: {  	[tilespmem:s21+$0xA1E0] =	vst v2;
	s21 =	sshra.s32 s22, $0x2;
	s22 =	sadd.s32 $0x200, s22  }
0x1a: {  	[tilespmem:s21+$0xA1F0] =	vst v2  }
0x1b: {  	[tilespmem:s21+$0xA180] =	vst v2  }
0x1c: {  	[tilespmem:s21+$0xA190] =	vst v2  }
0x1d: {  	[tilespmem:s21+$0xA1A0] =	vst v2  }
0x1e: {  	[tilespmem:s21+$0xA1B0] =	vst v2  }
0x1f: {  	[tilespmem:s21+$0xA1C0] =	vst v2  }
0x20: {  	[tilespmem:s21+$0xA1D0] =	vst v2  }
0x21: {  	[tilespmem:s21+$0xA1E0] =	vst v2  }
0x22: {  	[spmem:s4] =	stream.linear.scatter [tilespmem:s10], [sflag:$0x3], $0x4000, $0x38;
	[tilespmem:$0xE180] =	vst v63  }
0x23: {  	_ =	swait.ge [sflag:s11], $0x4000  }
0x24: {  	[sflag:s11] =	ssyncset.done $0x0  }
0x25: {  	[sflag:s11] =	ssyncadd.s32 $0xFFFFC000  }
0x26: {  	[spmem:s8] =	stream.linear.scatter [tilespmem:s10], [sflag:$0x3], $0x4000, $0x38;
	[tilespmem:$0xE180] =	vst v63  }
0x27: {  	_ =	swait.ge [sflag:s11], $0x4000  }
0x28: {  	[sflag:s11] =	ssyncset.done $0x0  }
0x29: {  	[sflag:s11] =	ssyncadd.s32 $0xFFFFC000  }
0x2a: {  	[spmem:s5] =	stream.linear.scatter [tilespmem:s10], [sflag:$0x3], $0x2000, $0x38;
	[tilespmem:$0xE180] =	vst v63  }
0x2b: {  	_ =	swait.ge [sflag:s11], $0x2000  }
0x2c: {  	[sflag:s11] =	ssyncset.done $0x0  }
0x2d: {  	s21 =	simm.s32 $0x0;
	s22 =	simm.s32 $0x200;
	[sflag:s11] =	ssyncadd.s32 $0xFFFFE000  }
.LBB2_4:
0x2e: {  	p0 =	sne.s32 s22, $0xFE00;
	[tilespmem:s21+$0xA1F0] =	vst v3  }
0x2f: {  	[tilespmem:s21+$0xA180] =	vst v3  }
0x30: {  	[tilespmem:s21+$0xA190] =	vst v3  }
.Ltmp1:
0x31: {  	[tilespmem:s21+$0xA1A0] =	vst v3;
	(pc) =	sbr.rel @p0 .LBB2_4-.Ltmp1, $4  }
0x32: {  	[tilespmem:s21+$0xA1B0] =	vst v3  }
0x33: {  	[tilespmem:s21+$0xA1C0] =	vst v3  }
0x34: {  	[tilespmem:s21+$0xA1D0] =	vst v3  }
0x35: {  	[tilespmem:s21+$0xA1E0] =	vst v3;
	s21 =	sshra.s32 s22, $0x2;
	s22 =	sadd.s32 $0x200, s22  }
0x36: {  	[tilespmem:s21+$0xA1F0] =	vst v3  }
0x37: {  	[tilespmem:s21+$0xA180] =	vst v3  }
0x38: {  	[tilespmem:s21+$0xA190] =	vst v3  }
0x39: {  	[tilespmem:s21+$0xA1A0] =	vst v3  }
0x3a: {  	[tilespmem:s21+$0xA1B0] =	vst v3  }
0x3b: {  	[tilespmem:s21+$0xA1C0] =	vst v3  }
0x3c: {  	[tilespmem:s21+$0xA1D0] =	vst v3  }
0x3d: {  	[tilespmem:s21+$0xA1E0] =	vst v3  }
0x3e: {  	s31 =	sadd.s32 $0x0, s9;
	[bflag:$0x0] =	sbarrier.arrive $0xFFFF  }
0x3f: {  	[tilespmem:s12], [sflag:$0x1] =	stream.linear.gather [hbm4b:s31+s3], $0x80, $0x38;
	[tilespmem:$0xE180] =	vst v63  }
0x40: {  	s21 =	sadd.s32 $0x10, s31  }
0x41: {  	[tilespmem:s13], [sflag:$0x2] =	stream.linear.gather [hbm4b:s21+s3], $0x80, $0x38;
	[tilespmem:$0xE180] =	vst v63  }
0x42: {  	_ =	swait.ge [sflag:s14], $0x80  }
0x43: {  	[sflag:s14] =	ssyncset.done $0x0  }
0x44: {  	[sflag:s14] =	ssyncadd.s32 $0xFFFFFF80  }
0x45: {  	v4 =	vld [tilespmem:$0xA070]  }
0x46: {  	v5 =	vld [tilespmem:$0xA060]  }
0x47: {  	v6 =	vld [tilespmem:$0xA020]  }
0x48: {  	v7 =	vld [tilespmem:$0xA000]  }
0x49: {  	v8 =	vld [tilespmem:$0xA040]  }
0x4a: {  	v9 =	vld [tilespmem:$0xA010]  }
0x4b: {  	v11 =	vld [tilespmem:$0xA030];
	v10 =	vsub.s32 v4, v0;
	vm0 =	vge.s32 v5, v0;
	vm1 =	vlt.s32 v5, v1  }
0x4c: {  	v5 =	vsub.s32 v5, v0;
	v12 =	vsub.s32 v6, v0;
	vm2 =	vge.s32 v4, v0  }
0x4d: {  	v13 =	vld [tilespmem:$0xA050];
	vm3 =	vlt.s32 v4, v1;
	v4 =	vsub.s32 v7, v0;
	vm4 =	vge.s32 v6, v0  }
0x4e: {  	vm12 =	vge.s32 v7, v0;
	vm5 =	vlt.s32 v6, v1;
	vm6 =	vge.s32 v8, v0  }
0x4f: {  	vm7 =	vlt.s32 v7, v1;
	vm8 =	vge.s32 v9, v0;
	vm13 =	vlt.s32 v9, v1  }
0x50: {  	vm14 =	vlt.s32 v11, v1;
	vm2 =	vmand vm2, vm3;
	vm3 =	vmand vm12, vm7  }
0x51: {  	vm15 =	vlt.s32 v8, v1;
	vm4 =	vmand vm4, vm5;
	v4 =	vnsel vm3, $0x13EC, v4  }
0x52: {  	vm9 =	vge.s32 v13, v0;
	vm0 =	vmand vm0, vm1;
	v6 =	vnsel vm4, $0x13EC, v12;
	[tilespmem:$0xA100] =	vst v4  }
0x53: {  	v7 =	vsub.s32 v13, v0;
	vm4 =	vlt.s32 v13, v1;
	v5 =	vnsel vm0, $0x13EC, v5;
	[tilespmem:$0xA120] =	vst v6  }
0x54: {  	vm11 =	vmand vm6, vm15;
	v6 =	vnsel vm2, $0x13EC, v10;
	vm10 =	vmand vm9, vm4;
	[tilespmem:$0xA160] =	vst v5  }
0x55: {  	vm12 =	vmand vm8, vm13;
	v4 =	vsub.s32 v9, v0;
	[tilespmem:$0xA170] =	vst v6;
	v6 =	vnsel vm10, $0x13EC, v7  }
0x56: {  	vm13 =	vge.s32 v11, v0;
	v5 =	vsub.s32 v8, v0;
	v4 =	vnsel vm12, $0x13EC, v4;
	[tilespmem:$0xA150] =	vst v6  }
0x57: {  	vm0 =	vmand vm13, vm14;
	v5 =	vnsel vm11, $0x13EC, v5;
	v6 =	vsub.s32 v11, v0;
	[tilespmem:$0xA110] =	vst v4  }
0x58: {  	[tilespmem:$0xA140] =	vst v5;
	v4 =	vnsel vm0, $0x13EC, v6  }
0x59: {  	[tilespmem:$0xA130] =	vst v4  }
0x5a: {  	[spmem:s2] =	stream.indirect.scatter.add.f32 [tilespmem:s10], [sflag:$0x3], $0x80, s16, s15, $0xb8;
	[tilespmem:$0xE180] =	vst v63  }
0x5b: {  	_ =	swait.ge [sflag:s11], $0x4000  }
0x5c: {  	[sflag:s11] =	ssyncset.done $0x0  }
0x5d: {  	[sflag:s11] =	ssyncadd.s32 $0xFFFFC000  }
0x5e: {  	_ =	swait.ge [sflag:s17], $0x80  }
0x5f: {  	[sflag:s17] =	ssyncset.done $0x0  }
0x60: {  	[sflag:s17] =	ssyncadd.s32 $0xFFFFFF80  }
0x61: {  	v4 =	vld [tilespmem:$0xA0D0]  }
0x62: {  	v5 =	vld [tilespmem:$0xA090]  }
0x63: {  	v6 =	vld [tilespmem:$0xA0A0]  }
0x64: {  	v7 =	vld [tilespmem:$0xA0B0]  }
0x65: {  	v59 =	vld [tilespmem:$0xA080]  }
0x66: {  	v60 =	vld [tilespmem:$0xA0C0]  }
0x67: {  	vm0 =	vge.s32 v4, v0;
	vm1 =	vlt.s32 v4, v1;
	vm14 =	vge.s32 v5, v0  }
0x68: {  	v61 =	vld [tilespmem:$0xA0E0];
	vm15 =	vlt.s32 v5, v1;
	vm9 =	vge.s32 v6, v0;
	vm10 =	vlt.s32 v6, v1  }
0x69: {  	v5 =	vsub.s32 v5, v0;
	v6 =	vsub.s32 v6, v0;
	vm11 =	vge.s32 v7, v0  }
0x6a: {  	v62 =	vld [tilespmem:$0xA0F0];
	vm12 =	vlt.s32 v7, v1;
	v7 =	vsub.s32 v7, v0;
	vm5 =	vlt.s32 v59, v1  }
0x6b: {  	v9 =	vsub.s32 v60, v0;
	v63 =	vsub.s32 v59, v0;
	vm4 =	vmand vm9, vm10  }
0x6c: {  	vm13 =	vmand vm11, vm12;
	vm2 =	vmand vm14, vm15;
	vm14 =	vge.s32 v60, v0  }
0x6d: {  	vm15 =	vlt.s32 v60, v1;
	vm9 =	vge.s32 v61, v0;
	v6 =	vnsel vm4, $0x13EC, v6  }
0x6e: {  	vm10 =	vge.s32 v59, v0;
	vm11 =	vlt.s32 v61, v1;
	v7 =	vnsel vm13, $0x13EC, v7;
	[tilespmem:$0xA120] =	vst v6  }
0x6f: {  	vm12 =	vlt.s32 v62, v1;
	vm3 =	vmand vm14, vm15;
	v5 =	vnsel vm2, $0x13EC, v5;
	[tilespmem:$0xA130] =	vst v7  }
0x70: {  	vm13 =	vmand vm9, vm11;
	vm14 =	vmand vm10, vm5;
	v9 =	vnsel vm3, $0x13EC, v9;
	[tilespmem:$0xA110] =	vst v5  }
0x71: {  	vm15 =	vge.s32 v62, v0;
	v6 =	vsub.s32 v61, v0;
	v7 =	vnsel vm14, $0x13EC, v63;
	[tilespmem:$0xA140] =	vst v9  }
0x72: {  	vm2 =	vmand vm15, vm12;
	v5 =	vnsel vm13, $0x13EC, v6;
	v6 =	vsub.s32 v62, v0;
	[tilespmem:$0xA100] =	vst v7  }
0x73: {  	v4 =	vsub.s32 v4, v0;
	vm0 =	vmand vm0, vm1;
	[tilespmem:$0xA160] =	vst v5;
	v5 =	vnsel vm2, $0x13EC, v6  }
0x74: {  	s22 =	simm.s32 $0x40;
	s21 =	simm.s32 $0x20;
	v4 =	vnsel vm0, $0x13EC, v4;
	[tilespmem:$0xA170] =	vst v5  }
.LBB2_6:
0x75: {  	p0 =	sne.s32 s22, $0x9E0;
	[tilespmem:$0xA150] =	vst v4;
	s23 =	smov.u32 s22;
	s22 =	sadd.s32 $0x20, s22  }
0x76: {  	[spmem:s2] =	stream.indirect.scatter.add.f32 [tilespmem:s10], [sflag:$0x3], $0x80, s16, s15, $0xb8;
	[tilespmem:$0xE180] =	vst v63  }
0x77: {  	_ =	swait.ge [sflag:s11], $0x4000  }
0x78: {  	[sflag:s11] =	ssyncset.done $0x0  }
0x79: {  	s24 =	sadd.s32 s21, s9;
	s21 =	smov.u32 s23;
	[sflag:s11] =	ssyncadd.s32 $0xFFFFC000  }
0x7a: {  	[tilespmem:s12], [sflag:$0x1] =	stream.linear.gather [hbm4b:s24+s3], $0x80, $0x38;
	[tilespmem:$0xE180] =	vst v63  }
0x7b: {  	s23 =	sadd.s32 $0x10, s24  }
0x7c: {  	[tilespmem:s13], [sflag:$0x2] =	stream.linear.gather [hbm4b:s23+s3], $0x80, $0x38;
	[tilespmem:$0xE180] =	vst v63  }
0x7d: {  	_ =	swait.ge [sflag:s14], $0x80  }
0x7e: {  	[sflag:s14] =	ssyncset.done $0x0  }
0x7f: {  	[sflag:s14] =	ssyncadd.s32 $0xFFFFFF80  }
0x80: {  	v4 =	vld [tilespmem:$0xA070]  }
0x81: {  	v5 =	vld [tilespmem:$0xA060]  }
0x82: {  	v6 =	vld [tilespmem:$0xA020]  }
0x83: {  	v7 =	vld [tilespmem:$0xA000]  }
0x84: {  	v8 =	vld [tilespmem:$0xA040]  }
0x85: {  	v9 =	vld [tilespmem:$0xA010];
	v10 =	vsub.s32 v4, v0  }
0x86: {  	v11 =	vld [tilespmem:$0xA030];
	vm0 =	vge.s32 v5, v0;
	vm1 =	vlt.s32 v5, v1;
	v5 =	vsub.s32 v5, v0  }
0x87: {  	vm2 =	vge.s32 v4, v0;
	vm3 =	vlt.s32 v4, v1;
	v12 =	vsub.s32 v6, v0;
	v13 =	vld [tilespmem:$0xA050]  }
0x88: {  	vm2 =	vmand vm2, vm3;
	vm4 =	vge.s32 v6, v0;
	v4 =	vsub.s32 v7, v0  }
0x89: {  	vm5 =	vlt.s32 v6, v1;
	vm3 =	vge.s32 v7, v0;
	vm6 =	vge.s32 v8, v0  }
0x8a: {  	vm7 =	vlt.s32 v7, v1;
	vm4 =	vmand vm4, vm5;
	vm8 =	vge.s32 v9, v0  }
0x8b: {  	vm3 =	vmand vm3, vm7;
	vm5 =	vlt.s32 v9, v1;
	vm7 =	vlt.s32 v11, v1  }
0x8c: {  	v4 =	vnsel vm3, $0x13EC, v4;
	vm3 =	vlt.s32 v8, v1;
	vm9 =	vge.s32 v13, v0  }
0x8d: {  	v6 =	vsub.s32 v8, v0;
	vm3 =	vmand vm6, vm3;
	[tilespmem:$0xA100] =	vst v4;
	v4 =	vsub.s32 v9, v0  }
0x8e: {  	vm0 =	vmand vm0, vm1;
	v7 =	vnsel vm4, $0x13EC, v12;
	vm5 =	vmand vm8, vm5  }
0x8f: {  	v5 =	vnsel vm0, $0x13EC, v5;
	vm1 =	vlt.s32 v13, v1;
	[tilespmem:$0xA120] =	vst v7;
	v7 =	vnsel vm2, $0x13EC, v10  }
0x90: {  	vm0 =	vge.s32 v11, v0;
	v8 =	vsub.s32 v13, v0;
	vm1 =	vmand vm9, vm1;
	[tilespmem:$0xA170] =	vst v7  }
0x91: {  	vm0 =	vmand vm0, vm7;
	v8 =	vnsel vm1, $0x13EC, v8;
	v7 =	vsub.s32 v11, v0;
	[tilespmem:$0xA160] =	vst v5  }
0x92: {  	v6 =	vnsel vm3, $0x13EC, v6;
	v4 =	vnsel vm5, $0x13EC, v4;
	v5 =	vnsel vm0, $0x13EC, v7;
	[tilespmem:$0xA150] =	vst v8  }
0x93: {  	[tilespmem:$0xA110] =	vst v4  }
0x94: {  	[tilespmem:$0xA140] =	vst v6  }
0x95: {  	[tilespmem:$0xA130] =	vst v5  }
0x96: {  	[spmem:s2] =	stream.indirect.scatter.add.f32 [tilespmem:s10], [sflag:$0x3], $0x80, s16, s15, $0xb8;
	[tilespmem:$0xE180] =	vst v63  }
0x97: {  	_ =	swait.ge [sflag:s11], $0x4000  }
0x98: {  	[sflag:s11] =	ssyncset.done $0x0  }
0x99: {  	[sflag:s11] =	ssyncadd.s32 $0xFFFFC000  }
0x9a: {  	_ =	swait.ge [sflag:s17], $0x80  }
0x9b: {  	[sflag:s17] =	ssyncset.done $0x0  }
0x9c: {  	[sflag:s17] =	ssyncadd.s32 $0xFFFFFF80  }
0x9d: {  	v4 =	vld [tilespmem:$0xA0D0]  }
0x9e: {  	v5 =	vld [tilespmem:$0xA090]  }
0x9f: {  	v6 =	vld [tilespmem:$0xA0A0]  }
0xa0: {  	v7 =	vld [tilespmem:$0xA0B0]  }
0xa1: {  	v8 =	vld [tilespmem:$0xA0C0]  }
0xa2: {  	v9 =	vld [tilespmem:$0xA080];
	vm0 =	vge.s32 v4, v0;
	vm1 =	vlt.s32 v4, v1  }
0xa3: {  	vm2 =	vge.s32 v5, v0;
	vm3 =	vlt.s32 v5, v1;
	v5 =	vsub.s32 v5, v0;
	v10 =	vld [tilespmem:$0xA0E0]  }
0xa4: {  	vm4 =	vge.s32 v6, v0;
	vm5 =	vlt.s32 v6, v1;
	v6 =	vsub.s32 v6, v0;
	v11 =	vld [tilespmem:$0xA0F0]  }
0xa5: {  	vm4 =	vmand vm4, vm5;
	vm5 =	vge.s32 v7, v0;
	vm6 =	vlt.s32 v7, v1  }
0xa6: {  	v7 =	vsub.s32 v7, v0;
	v6 =	vnsel vm4, $0x13EC, v6;
	vm4 =	vmand vm5, vm6  }
0xa7: {  	vm2 =	vmand vm2, vm3;
	vm5 =	vlt.s32 v9, v1;
	[tilespmem:$0xA120] =	vst v6;
	v6 =	vnsel vm4, $0x13EC, v7  }
0xa8: {  	vm3 =	vge.s32 v8, v0;
	vm4 =	vlt.s32 v8, v1;
	[tilespmem:$0xA130] =	vst v6;
	v6 =	vsub.s32 v10, v0  }
0xa9: {  	v7 =	vsub.s32 v8, v0;
	vm3 =	vmand vm3, vm4;
	v8 =	vsub.s32 v11, v0  }
0xaa: {  	v12 =	vsub.s32 v9, v0;
	v7 =	vnsel vm3, $0x13EC, v7;
	vm3 =	vge.s32 v10, v0  }
0xab: {  	vm4 =	vge.s32 v9, v0;
	vm6 =	vlt.s32 v10, v1;
	vm7 =	vlt.s32 v11, v1;
	[tilespmem:$0xA140] =	vst v7  }
.Ltmp2:
0xac: {  	v5 =	vnsel vm2, $0x13EC, v5;
	vm4 =	vmand vm4, vm5;
	vm2 =	vmand vm3, vm6;
	(pc) =	sbr.rel @p0 .LBB2_6-.Ltmp2, $4  }
0xad: {  	v7 =	vnsel vm4, $0x13EC, v12;
	[tilespmem:$0xA110] =	vst v5;
	v5 =	vnsel vm2, $0x13EC, v6;
	vm2 =	vge.s32 v11, v0  }
0xae: {  	v4 =	vsub.s32 v4, v0;
	vm0 =	vmand vm0, vm1;
	[tilespmem:$0xA160] =	vst v5;
	vm1 =	vmand vm2, vm7  }
0xaf: {  	v4 =	vnsel vm0, $0x13EC, v4;
	[tilespmem:$0xA100] =	vst v7;
	v5 =	vnsel vm1, $0x13EC, v8  }
0xb0: {  	[tilespmem:$0xA170] =	vst v5  }
0xb1: {  	[tilespmem:$0xA150] =	vst v4  }
0xb2: {  	[spmem:s2] =	stream.indirect.scatter.add.f32 [tilespmem:s10], [sflag:$0x3], $0x80, s16, s15, $0xb8;
	[tilespmem:$0xE180] =	vst v63  }
0xb3: {  	_ =	swait.ge [sflag:s11], $0x4000  }
0xb4: {  	[sflag:s11] =	ssyncset.done $0x0  }
0xb5: {  	s21 =	sadd.s32 s21, s9;
	[sflag:s11] =	ssyncadd.s32 $0xFFFFC000  }
0xb6: {  	[tilespmem:s12], [sflag:$0x1] =	stream.linear.gather [hbm4b:s21+s3], $0x80, $0x38;
	[tilespmem:$0xE180] =	vst v63  }
0xb7: {  	s21 =	sadd.s32 $0x10, s21  }
0xb8: {  	[tilespmem:s13], [sflag:$0x2] =	stream.linear.gather [hbm4b:s21+s3], $0x80, $0x38;
	[tilespmem:$0xE180] =	vst v63  }
0xb9: {  	_ =	swait.ge [sflag:s14], $0x80  }
0xba: {  	[sflag:s14] =	ssyncset.done $0x0  }
0xbb: {  	[sflag:s14] =	ssyncadd.s32 $0xFFFFFF80  }
0xbc: {  	v4 =	vld [tilespmem:$0xA070]  }
0xbd: {  	v5 =	vld [tilespmem:$0xA060]  }
0xbe: {  	v6 =	vld [tilespmem:$0xA020]  }
0xbf: {  	v7 =	vld [tilespmem:$0xA000]  }
0xc0: {  	v8 =	vld [tilespmem:$0xA040]  }
0xc1: {  	v9 =	vld [tilespmem:$0xA010]  }
0xc2: {  	v11 =	vld [tilespmem:$0xA030];
	v10 =	vsub.s32 v4, v0;
	vm0 =	vge.s32 v5, v0;
	vm1 =	vlt.s32 v5, v1  }
0xc3: {  	v5 =	vsub.s32 v5, v0;
	v12 =	vsub.s32 v6, v0;
	vm2 =	vge.s32 v4, v0  }
0xc4: {  	v13 =	vld [tilespmem:$0xA050];
	vm3 =	vlt.s32 v4, v1;
	v4 =	vsub.s32 v7, v0;
	vm4 =	vge.s32 v6, v0  }
0xc5: {  	vm12 =	vge.s32 v7, v0;
	vm5 =	vlt.s32 v6, v1;
	vm6 =	vge.s32 v8, v0  }
0xc6: {  	vm7 =	vlt.s32 v7, v1;
	vm8 =	vge.s32 v9, v0;
	vm13 =	vlt.s32 v9, v1  }
0xc7: {  	vm14 =	vlt.s32 v11, v1;
	vm2 =	vmand vm2, vm3;
	vm3 =	vmand vm12, vm7  }
0xc8: {  	vm15 =	vlt.s32 v8, v1;
	vm4 =	vmand vm4, vm5;
	v4 =	vnsel vm3, $0x13EC, v4  }
0xc9: {  	vm9 =	vge.s32 v13, v0;
	v51 =	vsub.s32 v13, v0;
	v49 =	vnsel vm4, $0x13EC, v12;
	[tilespmem:$0xA100] =	vst v4  }
0xca: {  	vm0 =	vmand vm0, vm1;
	vm4 =	vlt.s32 v13, v1;
	v50 =	vnsel vm2, $0x13EC, v10;
	[tilespmem:$0xA120] =	vst v49  }
0xcb: {  	vm11 =	vmand vm6, vm15;
	v5 =	vnsel vm0, $0x13EC, v5;
	vm10 =	vmand vm9, vm4;
	[tilespmem:$0xA170] =	vst v50  }
0xcc: {  	vm12 =	vmand vm8, vm13;
	v4 =	vsub.s32 v9, v0;
	[tilespmem:$0xA160] =	vst v5;
	v52 =	vnsel vm10, $0x13EC, v51  }
0xcd: {  	vm13 =	vge.s32 v11, v0;
	v5 =	vsub.s32 v8, v0;
	v4 =	vnsel vm12, $0x13EC, v4;
	[tilespmem:$0xA150] =	vst v52  }
0xce: {  	v53 =	vsub.s32 v11, v0;
	vm0 =	vmand vm13, vm14;
	v5 =	vnsel vm11, $0x13EC, v5;
	[tilespmem:$0xA110] =	vst v4  }
0xcf: {  	v4 =	vnsel vm0, $0x13EC, v53;
	[tilespmem:$0xA140] =	vst v5  }
0xd0: {  	[tilespmem:$0xA130] =	vst v4  }
0xd1: {  	[spmem:s2] =	stream.indirect.scatter.add.f32 [tilespmem:s10], [sflag:$0x3], $0x80, s16, s15, $0xb8;
	[tilespmem:$0xE180] =	vst v63  }
0xd2: {  	_ =	swait.ge [sflag:s11], $0x4000  }
0xd3: {  	[sflag:s11] =	ssyncset.done $0x0  }
0xd4: {  	[sflag:s11] =	ssyncadd.s32 $0xFFFFC000  }
0xd5: {  	_ =	swait.ge [sflag:s17], $0x80  }
0xd6: {  	[sflag:s17] =	ssyncset.done $0x0  }
0xd7: {  	[sflag:s17] =	ssyncadd.s32 $0xFFFFFF80  }
0xd8: {  	v4 =	vld [tilespmem:$0xA0D0]  }
0xd9: {  	v5 =	vld [tilespmem:$0xA090]  }
0xda: {  	v54 =	vld [tilespmem:$0xA0A0]  }
0xdb: {  	v55 =	vld [tilespmem:$0xA0B0]  }
0xdc: {  	v56 =	vld [tilespmem:$0xA080]  }
0xdd: {  	v57 =	vld [tilespmem:$0xA0C0]  }
0xde: {  	v58 =	vld [tilespmem:$0xA0E0]  }
0xdf: {  	vm0 =	vge.s32 v4, v0;
	vm1 =	vlt.s32 v4, v1;
	vm14 =	vge.s32 v5, v0  }
0xe0: {  	vm15 =	vlt.s32 v5, v1;
	vm9 =	vge.s32 v54, v0;
	vm10 =	vlt.s32 v54, v1  }
0xe1: {  	v5 =	vsub.s32 v5, v0;
	v6 =	vsub.s32 v54, v0;
	vm11 =	vge.s32 v55, v0  }
0xe2: {  	vm12 =	vlt.s32 v55, v1;
	v7 =	vsub.s32 v55, v0;
	vm5 =	vlt.s32 v56, v1  }
0xe3: {  	v9 =	vsub.s32 v57, v0;
	v60 =	vsub.s32 v58, v0;
	v61 =	vsub.s32 v56, v0  }
0xe4: {  	v59 =	vld [tilespmem:$0xA0F0];
	v4 =	vsub.s32 v4, v0;
	vm4 =	vmand vm9, vm10;
	vm13 =	vmand vm11, vm12  }
0xe5: {  	vm2 =	vmand vm14, vm15;
	vm14 =	vge.s32 v57, v0;
	v6 =	vnsel vm4, $0x13EC, v6  }
0xe6: {  	vm15 =	vlt.s32 v57, v1;
	vm9 =	vge.s32 v58, v0;
	v7 =	vnsel vm13, $0x13EC, v7;
	[tilespmem:$0xA120] =	vst v6  }
0xe7: {  	vm10 =	vge.s32 v56, v0;
	vm0 =	vmand vm0, vm1;
	v5 =	vnsel vm2, $0x13EC, v5;
	[tilespmem:$0xA130] =	vst v7  }
0xe8: {  	vm11 =	vlt.s32 v58, v1;
	vm3 =	vmand vm14, vm15;
	v4 =	vnsel vm0, $0x13EC, v4;
	[tilespmem:$0xA110] =	vst v5  }
0xe9: {  	vm12 =	vlt.s32 v59, v1;
	vm13 =	vmand vm9, vm11;
	v9 =	vnsel vm3, $0x13EC, v9;
	[tilespmem:$0xA150] =	vst v4  }
0xea: {  	vm14 =	vmand vm10, vm5;
	vm15 =	vge.s32 v59, v0;
	v5 =	vnsel vm13, $0x13EC, v60;
	[tilespmem:$0xA140] =	vst v9  }
0xeb: {  	v62 =	vsub.s32 v59, v0;
	v63 =	vnsel vm14, $0x13EC, v61;
	vm2 =	vmand vm15, vm12;
	[tilespmem:$0xA160] =	vst v5  }
0xec: {  	[tilespmem:$0xA100] =	vst v63;
	v5 =	vnsel vm2, $0x13EC, v62  }
0xed: {  	[tilespmem:$0xA170] =	vst v5  }
0xee: {  	[spmem:s2] =	stream.indirect.scatter.add.f32 [tilespmem:s10], [sflag:$0x3], $0x80, s16, s15, $0xb8;
	[tilespmem:$0xE180] =	vst v63  }
0xef: {  	_ =	swait.ge [sflag:s11], $0x4000  }
0xf0: {  	s20 =	sadd.s32 $0x1, s20;
	[sflag:s11] =	ssyncset.done $0x0  }
0xf1: {  	p0 =	sne.s32 s20, s7;
	[sflag:s11] =	ssyncadd.s32 $0xFFFFC000  }
.Ltmp3:
0xf2: {  	[bflag:$0x0] =	sbarrier.arrive $0xFFFF;
	(pc) =	sbr.rel @p0 .LBB2_1-.Ltmp3, $4  }
0xf3: {  	[hbm:s6], [sflag:s18] =	dma.local [spmem:s19], $0x1400  }
0xf4: {  	_ =	swait.ge [sflag:s11], $0x1400  }
0xf5: {  	[sflag:s11] =	ssyncset.done $0x0  }
0xf6: {  	[sflag:s11] =	ssyncadd.s32 $0xFFFFEC00  }
0xf7: {  	_ =	sfence.sel $0x180000  }
0xf8: {  	[bflag:$0x0] =	sbarrier.arrive $0xFFFF  }
0xf9: {  	p0 =	sne.s32 s1, $0x0;
	_ =	strace $0x90000047  }
0xfa: {  	s0 =	sadd.s32 @!p0 $0x100000, s0;
	[bflag:$0x2] =	sbarrier.arrive $0xFFFF  }
0xfb: {  	[sflag:s0] =	ssyncadd.tile.s32 @!p0 $0x1;
	_ =	shalt  }
.Lfunc_end2:
_tile_overlayer_lowered:
.L_overlay_start_2:
0xfc: {  	(tag) =	ssettag $0x2  }
0xfd: {  	s0 =	rddreg [dreg:$0x0];
	s2 =	stileid.u32  }
0xfe: {  	s1 =	rddreg [dreg:$0x1];
	p0 =	sne.s32 s2, $0x0  }
0xff: {  	s3 =	rddreg [dreg:$0x2];
	[bflag:$0x3] =	sbarrier.arrive $0xFFFF;
	s2 =	simm.s32 @!p0 $0x1C03  }
0x100: {  	[timem:s3], [sflag:s2] =	dma.local @!p0 [hbm:s0], s1  }
0x101: {  	s0 =	simm.s32 @!p0 $0x3  }
0x102: {  	_ =	swait.ge @!p0 [sflag:s0], s1  }
0x103: {  	s1 =	ssub.s32 @!p0 $0x0, s1;
	[sflag:s0] =	ssyncset.done @!p0 $0x0  }
0x104: {  	[sflag:s0] =	ssyncadd.s32 @!p0 s1  }
0x105: {  	[bflag:$0x3] =	sbarrier.arrive $0xFFFF  }
0x106: {  	_ =	shalt  }

</sc_bundles>
